<compile_context>
chip_gen: v7x
topology: tpu7x:2x2x1
jax: 0.10.2.dev20260603
libtpu: 0.0.44.dev20260713+nightly
codegen_flags: <defaults>
</compile_context>

<pallas_src>
import jax
import jax.numpy as jnp
from jax import lax
from jax.experimental import pallas as pl
from jax.experimental.pallas import tpu as pltpu
from jax.experimental.pallas import tpu_sc as plsc

N = 10000
E = 320000
F = 128
G = 64
N_OUT = 10

NC = 2
NS = 16
NW = NC * NS

IDXW = 128
EROWS = E // IDXW
RPW = 80
TAIL = EROWS - (NW - 1) * RPW
PADN = 10240
RPT = PADN // NS
CH = 40


def _sc_body(h_hbm, eidx_hbm, z_hbm, out_hbm, acc, idx_s, idx_d,
             rows0, rows1, semg0, semg1):
    cid = lax.axis_index("c")
    sid = lax.axis_index("s")
    wid = sid * NC + cid

    with jax.named_scope("ph_zero"):
        @pl.when(cid == 0)
        def _():
            @pl.when(sid < NS - 1)
            def _():
                pltpu.sync_copy(h_hbm.at[pl.ds(sid * RPT, RPT)],
                                acc.at[pl.ds(sid * RPT, RPT)])

            @pl.when(sid == NS - 1)
            def _():
                pltpu.sync_copy(h_hbm.at[pl.ds((NS - 1) * RPT, N - (NS - 1) * RPT)],
                                acc.at[pl.ds((NS - 1) * RPT, N - (NS - 1) * RPT)])
                pltpu.sync_copy(z_hbm.at[pl.ds(0, PADN - N)],
                                acc.at[pl.ds(N, PADN - N)])

        @pl.when(cid == 1)
        def _():
            pltpu.sync_copy(z_hbm, acc.at[pl.ds(sid * RPT, RPT)])
    plsc.subcore_barrier()

    def run_span(hbase, nrows):
        pltpu.sync_copy(eidx_hbm.at[0, pl.ds(hbase, nrows)],
                        idx_s.at[pl.ds(0, nrows)])
        pltpu.sync_copy(eidx_hbm.at[1, pl.ds(hbase, nrows)],
                        idx_d.at[pl.ds(0, nrows)])
        pltpu.async_copy(h_hbm.at[idx_s.at[0]], rows0, semg0)
        pltpu.async_copy(h_hbm.at[idx_s.at[1]], rows1, semg1)

        def step(i, c):
            j = 2 * i
            for off, rows, sem in ((0, rows0, semg0), (1, rows1, semg1)):
                pltpu.make_async_copy(h_hbm.at[idx_s.at[j + off]], rows, sem).wait()
                pltpu.sync_copy(rows, acc.at[idx_d.at[j + off]], add=True)

                @pl.when(j + off + 2 < nrows)
                def _():
                    pltpu.async_copy(h_hbm.at[idx_s.at[j + off + 2]], rows, sem)
            return c

        lax.fori_loop(0, nrows // 2, step, 0)

    with jax.named_scope("ph_edges"):
        @pl.when(wid < NW - 1)
        def _():
            def chunk(ci, carry):
                run_span(wid * RPW + ci * CH, CH)
                return carry

            lax.fori_loop(0, RPW // CH, chunk, 0)

        @pl.when(wid == NW - 1)
        def _():
            run_span((NW - 1) * RPW, TAIL)

    with jax.named_scope("ph_bar"):
        plsc.subcore_barrier()

    with jax.named_scope("ph_writeout"):
        pltpu.sync_copy(acc.at[pl.ds(sid * RPT, RPT)],
                        out_hbm.at[pl.ds(cid * PADN + sid * RPT, RPT)])


@jax.jit
def _sc_segment_sum(h, eidx3, zrows):
    mesh = plsc.VectorSubcoreMesh(core_axis_name="c", subcore_axis_name="s")
    k = pl.kernel(
        _sc_body,
        out_type=jax.ShapeDtypeStruct((NC * PADN, F), jnp.float32),
        mesh=mesh,
        scratch_types=[
            pltpu.VMEM_SHARED((PADN, F), jnp.float32),
            pltpu.VMEM((CH, IDXW), jnp.int32),
            pltpu.VMEM((CH, IDXW), jnp.int32),
        ] + [pltpu.VMEM((IDXW, F), jnp.float32)] * 2
          + [pltpu.SemaphoreType.DMA] * 2,
    )
    return k(h, eidx3, zrows)


BLK = 2000
NBLK = N // BLK


def _layer_body(agg_ref, w1, b1, w2, b2, w3, b3, o_ref):
    z = agg_ref[0] + agg_ref[1]
    z = jnp.maximum(jnp.dot(z, w1[...], preferred_element_type=jnp.float32) + b1[...], 0.0)
    z = jnp.maximum(jnp.dot(z, w2[...], preferred_element_type=jnp.float32) + b2[...], 0.0)
    o_ref[...] = jnp.dot(z, w3[...], preferred_element_type=jnp.float32) + b3[...]


def _tc_layer(agg2, w1, b1, w2, b2, w3, b3):
    wspec = pl.BlockSpec((F, F), lambda i: (0, 0))
    bspec = pl.BlockSpec((1, F), lambda i: (0, 0))
    return pl.pallas_call(
        _layer_body,
        grid=(NBLK,),
        in_specs=[
            pl.BlockSpec((NC, BLK, F), lambda i: (0, i, 0)),
            wspec, bspec, wspec, bspec, wspec, bspec,
        ],
        out_specs=pl.BlockSpec((BLK, F), lambda i: (i, 0)),
        out_shape=jax.ShapeDtypeStruct((N, F), jnp.float32),
    )(agg2, w1, b1, w2, b2, w3, b3)


def _layer3_body(agg_ref, seg_ref, w1, b1, w2, b2, w3, b3,
                 d1w, d1b, d2w, d2b, o_ref, sums, cnts):
    i = pl.program_id(0)

    @pl.when(i == 0)
    def _():
        sums[...] = jnp.zeros((G, F), jnp.float32)
        cnts[...] = jnp.zeros((G, F), jnp.float32)

    z = agg_ref[0] + agg_ref[1]
    z = jnp.maximum(jnp.dot(z, w1[...], preferred_element_type=jnp.float32) + b1[...], 0.0)
    z = jnp.maximum(jnp.dot(z, w2[...], preferred_element_type=jnp.float32) + b2[...], 0.0)
    hb = jnp.dot(z, w3[...], preferred_element_type=jnp.float32) + b3[...]

    onehot = (seg_ref[...] == lax.broadcasted_iota(jnp.int32, (1, G), 1)
              ).astype(jnp.float32)
    cdims = (((0,), (0,)), ((), ()))
    sums[...] += lax.dot_general(onehot, hb, cdims,
                                 preferred_element_type=jnp.float32)
    cnts[...] += lax.dot_general(onehot, jnp.ones((BLK, F), jnp.float32), cdims,
                                 preferred_element_type=jnp.float32)

    @pl.when(i == NBLK - 1)
    def _():
        pooled = sums[...] / jnp.maximum(cnts[...], 1.0)
        o1 = jnp.maximum(
            jnp.dot(pooled, d1w[...], preferred_element_type=jnp.float32) + d1b[...], 0.0)
        logits = jnp.dot(o1, d2w[...], preferred_element_type=jnp.float32) + d2b[...]
        mask = lax.broadcasted_iota(jnp.int32, (G, F), 1) < N_OUT
        logits = jnp.where(mask, logits, -1e30)
        m = jnp.max(logits, axis=1, keepdims=True)
        e = jnp.exp(logits - m)
        o_ref[...] = e / jnp.sum(e, axis=1, keepdims=True)


def _tc_layer3_pool_head(agg2, seg2, w1, b1, w2, b2, w3, b3, d1w, d1b, d2wp, d2bp):
    wspec = pl.BlockSpec((F, F), lambda i: (0, 0))
    bspec = pl.BlockSpec((1, F), lambda i: (0, 0))
    return pl.pallas_call(
        _layer3_body,
        grid=(NBLK,),
        in_specs=[
            pl.BlockSpec((NC, BLK, F), lambda i: (0, i, 0)),
            pl.BlockSpec((BLK, 1), lambda i: (i, 0)),
            wspec, bspec, wspec, bspec, wspec, bspec,
            wspec, bspec, wspec, bspec,
        ],
        out_specs=pl.BlockSpec((G, F), lambda i: (0, 0)),
        out_shape=jax.ShapeDtypeStruct((G, F), jnp.float32),
        scratch_shapes=[
            pltpu.VMEM((G, F), jnp.float32),
            pltpu.VMEM((G, F), jnp.float32),
        ],
    )(agg2, seg2, w1, b1, w2, b2, w3, b3, d1w, d1b, d2wp, d2bp)


def kernel(x, convW1, convb1, convW2, convb2, convW3, convb3,
           d1W, d1b, d2W, d2b, edge_index, seg):
    eidx3 = edge_index.reshape(2, EROWS, IDXW)
    zrows = jnp.zeros((RPT, F), jnp.float32)

    h = x
    for l in range(2):
        aggp = _sc_segment_sum(h, eidx3, zrows)
        agg2 = aggp.reshape(NC, PADN, F)
        h = _tc_layer(agg2,
                      convW1[l], convb1[l].reshape(1, F),
                      convW2[l], convb2[l].reshape(1, F),
                      convW3[l], convb3[l].reshape(1, F))

    aggp = _sc_segment_sum(h, eidx3, zrows)
    agg2 = aggp.reshape(NC, PADN, F)
    seg2 = seg.reshape(N, 1)
    d2wp = jnp.pad(d2W, ((0, 0), (0, F - N_OUT)))
    d2bp = jnp.pad(d2b, (0, F - N_OUT)).reshape(1, F)
    out = _tc_layer3_pool_head(
        agg2, seg2,
        convW1[2], convb1[2].reshape(1, F),
        convW2[2], convb2[2].reshape(1, F),
        convW3[2], convb3[2].reshape(1, F),
        d1W, d1b.reshape(1, F), d2wp, d2bp)
    return out[:, :N_OUT]

# --- scband reference (transcript-rebuilt; emitter-appended) ---
"""Pipeline reference for scband-gin0-25907242729992 (READ-ONLY COPY).

The authoritative reference and input builder live on the scoring server;
editing this copy changes nothing except your own understanding.
"""

import jax, jax.numpy as jnp
import numpy as np

N = 10000
E = 320000
F = 128
C = 128
L = 3
G = 64
N_OUT = 10

def setup_inputs(seed: int = 0):
    key = jax.random.key(seed)
    ks = jax.random.split(key, 16)
    x = jax.random.normal(ks[0], (N, F), dtype=jnp.float32)
    edge_index = jax.random.randint(ks[1], (2, E), 0, N, dtype=jnp.int32)
    seg = jnp.sort(jax.random.randint(ks[2], (N,), 0, G, dtype=jnp.int32))
    s = 1.0 / np.sqrt(C)
    convW1 = jax.random.normal(ks[3], (L, C, C), dtype=jnp.float32) * s
    convb1 = jnp.zeros((L, C), dtype=jnp.float32)
    convW2 = jax.random.normal(ks[4], (L, C, C), dtype=jnp.float32) * s
    convb2 = jnp.zeros((L, C), dtype=jnp.float32)
    convW3 = jax.random.normal(ks[5], (L, C, C), dtype=jnp.float32) * s
    convb3 = jnp.zeros((L, C), dtype=jnp.float32)
    d1W = jax.random.normal(ks[6], (C, C), dtype=jnp.float32) * s
    d1b = jnp.zeros((C,), dtype=jnp.float32)
    d2W = jax.random.normal(ks[7], (C, N_OUT), dtype=jnp.float32) * s
    d2b = jnp.zeros((N_OUT,), dtype=jnp.float32)
    return {"x": x, "convW1": convW1, "convb1": convb1, "convW2": convW2, "convb2": convb2, "convW3": convW3, "convb3": convb3, "d1W": d1W, "d1b": d1b, "d2W": d2W, "d2b": d2b, "edge_index": edge_index, "seg": seg}

def reference(x, convW1, convb1, convW2, convb2, convW3, convb3, d1W, d1b, d2W, d2b, edge_index, seg):
    src = edge_index[0]
    dst = edge_index[1]
    h = x
    for l in range(L):
        # GINConv with epsilon=0: MLP(x + sum_{j in N(i)} x_j)
        agg = jax.ops.segment_sum(h[src], dst, num_segments=N)
        z = h + agg
        z = jax.nn.relu(jnp.dot(z, convW1[l]) + convb1[l])
        z = jax.nn.relu(jnp.dot(z, convW2[l]) + convb2[l])
        h = jnp.dot(z, convW3[l]) + convb3[l]
    # GlobalAvgPool over graph segment ids
    sums = jax.ops.segment_sum(h, seg, num_segments=G)
    counts = jax.ops.segment_sum(jnp.ones((N, 1), dtype=h.dtype), seg, num_segments=G)
    pooled = sums / jnp.maximum(counts, 1.0)
    out = jax.nn.relu(jnp.dot(pooled, d1W) + d1b)
    # dropout is identity at inference
    out = jax.nn.softmax(jnp.dot(out, d2W) + d2b, axis=-1)
    return out

if __name__ == "__main__":
    import jax
    _d = setup_inputs()
    print(jax.jit(kernel)(*tuple(_d.values())))

</pallas_src>

<mosaic_0001>
#map = affine_map<(d0, d1) -> (0, 0)>
#map1 = affine_map<(d0, d1) -> (0, 0, 0)>
module attributes {stable_mosaic.version = 14 : i64} {
  func.func @_sc_body(%arg0: i32, %arg1: i32, %arg2: memref<10000x128xf32, #tpu.memory_space<hbm>>, %arg3: memref<2x2500x128xi32, #tpu.memory_space<hbm>>, %arg4: memref<640x128xf32, #tpu.memory_space<hbm>>, %arg5: memref<20480x128xf32, #tpu.memory_space<hbm>>, %arg6: memref<10240x128xf32, #tpu.memory_space<vmem_shared>>, %arg7: memref<40x128xi32, #tpu.memory_space<vmem>>, %arg8: memref<40x128xi32, #tpu.memory_space<vmem>>, %arg9: memref<128x128xf32, #tpu.memory_space<vmem>>, %arg10: memref<128x128xf32, #tpu.memory_space<vmem>>, %arg11: memref<!tpu.dma_semaphore, #tpu.memory_space<semaphore_mem>>, %arg12: memref<!tpu.dma_semaphore, #tpu.memory_space<semaphore_mem>>) attributes {dimension_semantics = [#tpu.dimension_semantics<core_parallel>, #tpu.dimension_semantics<subcore_parallel>], iteration_bounds = array<i64: 2, 16>, scalar_prefetch = 0 : i64, scratch_operands = 7 : i64, tpu.core_type = #tpu.core_type<sc_vector_subcore>, window_params = [{transform_indices = #map}, {transform_indices = #map1}, {transform_indices = #map}, {transform_indices = #map}]} {
    %mul3A = arith.constant 2 : i32
    %mul3A_0 = arith.muli %arg1, %mul3A : i32
    %add3A = arith.addi %mul3A_0, %arg0 : i32
    %eq3A = arith.constant 0 : i32
    "tpu.trace_start"() <{level = 10 : i32, message = "ph_zero"}> : () -> ()
    %eq3A_1 = arith.cmpi eq, %arg0, %eq3A : i32
    %convert_element_type3A = arith.extui %eq3A_1 : i1 to i32
    %cond3A = arith.constant 0 : i32
    %cond3A_2 = arith.cmpi ne, %convert_element_type3A, %cond3A : i32
    scf.if %cond3A_2 {
      %lt3A_25 = arith.constant 15 : i32
      %lt3A_26 = arith.cmpi slt, %arg1, %lt3A_25 : i32
      %convert_element_type3A_27 = arith.extui %lt3A_26 : i1 to i32
      %cond3A_28 = arith.constant 0 : i32
      %cond3A_29 = arith.cmpi ne, %convert_element_type3A_27, %cond3A_28 : i32
      scf.if %cond3A_29 {
        %mul3A_35 = arith.constant 640 : i32
        %mul3A_36 = arith.muli %arg1, %mul3A_35 : i32
        %mul3A_37 = arith.constant 640 : i32
        %mul3A_38 = arith.muli %arg1, %mul3A_37 : i32
        "tpu.region"() ({
          %run_scoped3A = tpu.sem_alloc : memref<!tpu.dma_semaphore, #tpu.memory_space<semaphore_mem>>
          %dma_start3A = arith.constant 0 : i32
          %dma_start3A_39 = tpu.memref_slice %arg6[%mul3A_38, %dma_start3A] : memref<10240x128xf32, #tpu.memory_space<vmem_shared>> -> memref<640x128xf32, #tpu.memory_space<vmem_shared>>
          %dma_start3A_40 = arith.constant 0 : i32
          %dma_start3A_41 = tpu.memref_slice %arg2[%mul3A_36, %dma_start3A_40] : memref<10000x128xf32, #tpu.memory_space<hbm>> -> memref<640x128xf32, #tpu.memory_space<hbm>>
          tpu.enqueue_dma source(%dma_start3A_41 : memref<640x128xf32, #tpu.memory_space<hbm>>) target(%dma_start3A_39 : memref<640x128xf32, #tpu.memory_space<vmem_shared>>) target_semaphore(%run_scoped3A : memref<!tpu.dma_semaphore, #tpu.memory_space<semaphore_mem>>)
          %dma_wait3A = arith.constant 0 : i32
          %dma_wait3A_42 = tpu.memref_slice %arg6[%mul3A_38, %dma_wait3A] : memref<10240x128xf32, #tpu.memory_space<vmem_shared>> -> memref<640x128xf32, #tpu.memory_space<vmem_shared>>
          %dma_wait3A_43 = arith.constant 0 : i32
          %dma_wait3A_44 = tpu.memref_slice %arg2[%mul3A_36, %dma_wait3A_43] : memref<10000x128xf32, #tpu.memory_space<hbm>> -> memref<640x128xf32, #tpu.memory_space<hbm>>
          tpu.wait_dma2 semaphore(%run_scoped3A : memref<!tpu.dma_semaphore, #tpu.memory_space<semaphore_mem>>) src(%dma_wait3A_44 : memref<640x128xf32, #tpu.memory_space<hbm>>) dst(%dma_wait3A_42 : memref<640x128xf32, #tpu.memory_space<vmem_shared>>)
          tpu.yield
        }) : () -> ()
      } else {
      }
      %eq3A_30 = arith.constant 15 : i32
      %eq3A_31 = arith.cmpi eq, %arg1, %eq3A_30 : i32
      %convert_element_type3A_32 = arith.extui %eq3A_31 : i1 to i32
      %cond3A_33 = arith.constant 0 : i32
      %cond3A_34 = arith.cmpi ne, %convert_element_type3A_32, %cond3A_33 : i32
      scf.if %cond3A_34 {
        "tpu.region"() ({
          %run_scoped3A = tpu.sem_alloc : memref<!tpu.dma_semaphore, #tpu.memory_space<semaphore_mem>>
          %dma_start3A = arith.constant 9600 : i32
          %dma_start3A_35 = arith.constant 0 : i32
          %dma_start3A_36 = tpu.memref_slice %arg6[%dma_start3A, %dma_start3A_35] : memref<10240x128xf32, #tpu.memory_space<vmem_shared>> -> memref<400x128xf32, #tpu.memory_space<vmem_shared>>
          %dma_start3A_37 = arith.constant 9600 : i32
          %dma_start3A_38 = arith.constant 0 : i32
          %dma_start3A_39 = tpu.memref_slice %arg2[%dma_start3A_37, %dma_start3A_38] : memref<10000x128xf32, #tpu.memory_space<hbm>> -> memref<400x128xf32, #tpu.memory_space<hbm>>
          tpu.enqueue_dma source(%dma_start3A_39 : memref<400x128xf32, #tpu.memory_space<hbm>>) target(%dma_start3A_36 : memref<400x128xf32, #tpu.memory_space<vmem_shared>>) target_semaphore(%run_scoped3A : memref<!tpu.dma_semaphore, #tpu.memory_space<semaphore_mem>>)
          %dma_wait3A = arith.constant 9600 : i32
          %dma_wait3A_40 = arith.constant 0 : i32
          %dma_wait3A_41 = tpu.memref_slice %arg6[%dma_wait3A, %dma_wait3A_40] : memref<10240x128xf32, #tpu.memory_space<vmem_shared>> -> memref<400x128xf32, #tpu.memory_space<vmem_shared>>
          %dma_wait3A_42 = arith.constant 9600 : i32
          %dma_wait3A_43 = arith.constant 0 : i32
          %dma_wait3A_44 = tpu.memref_slice %arg2[%dma_wait3A_42, %dma_wait3A_43] : memref<10000x128xf32, #tpu.memory_space<hbm>> -> memref<400x128xf32, #tpu.memory_space<hbm>>
          tpu.wait_dma2 semaphore(%run_scoped3A : memref<!tpu.dma_semaphore, #tpu.memory_space<semaphore_mem>>) src(%dma_wait3A_44 : memref<400x128xf32, #tpu.memory_space<hbm>>) dst(%dma_wait3A_41 : memref<400x128xf32, #tpu.memory_space<vmem_shared>>)
          tpu.yield
        }) : () -> ()
        "tpu.region"() ({
          %run_scoped3A = tpu.sem_alloc : memref<!tpu.dma_semaphore, #tpu.memory_space<semaphore_mem>>
          %dma_start3A = arith.constant 10000 : i32
          %dma_start3A_35 = arith.constant 0 : i32
          %dma_start3A_36 = tpu.memref_slice %arg6[%dma_start3A, %dma_start3A_35] : memref<10240x128xf32, #tpu.memory_space<vmem_shared>> -> memref<240x128xf32, #tpu.memory_space<vmem_shared>>
          %dma_start3A_37 = arith.constant 0 : i32
          %dma_start3A_38 = arith.constant 0 : i32
          %dma_start3A_39 = tpu.memref_slice %arg4[%dma_start3A_37, %dma_start3A_38] : memref<640x128xf32, #tpu.memory_space<hbm>> -> memref<240x128xf32, #tpu.memory_space<hbm>>
          tpu.enqueue_dma source(%dma_start3A_39 : memref<240x128xf32, #tpu.memory_space<hbm>>) target(%dma_start3A_36 : memref<240x128xf32, #tpu.memory_space<vmem_shared>>) target_semaphore(%run_scoped3A : memref<!tpu.dma_semaphore, #tpu.memory_space<semaphore_mem>>)
          %dma_wait3A = arith.constant 10000 : i32
          %dma_wait3A_40 = arith.constant 0 : i32
          %dma_wait3A_41 = tpu.memref_slice %arg6[%dma_wait3A, %dma_wait3A_40] : memref<10240x128xf32, #tpu.memory_space<vmem_shared>> -> memref<240x128xf32, #tpu.memory_space<vmem_shared>>
          %dma_wait3A_42 = arith.constant 0 : i32
          %dma_wait3A_43 = arith.constant 0 : i32
          %dma_wait3A_44 = tpu.memref_slice %arg4[%dma_wait3A_42, %dma_wait3A_43] : memref<640x128xf32, #tpu.memory_space<hbm>> -> memref<240x128xf32, #tpu.memory_space<hbm>>
          tpu.wait_dma2 semaphore(%run_scoped3A : memref<!tpu.dma_semaphore, #tpu.memory_space<semaphore_mem>>) src(%dma_wait3A_44 : memref<240x128xf32, #tpu.memory_space<hbm>>) dst(%dma_wait3A_41 : memref<240x128xf32, #tpu.memory_space<vmem_shared>>)
          tpu.yield
        }) : () -> ()
      } else {
      }
    } else {
    }
    %eq3A_3 = arith.constant 1 : i32
    %eq3A_4 = arith.cmpi eq, %arg0, %eq3A_3 : i32
    %convert_element_type3A_5 = arith.extui %eq3A_4 : i1 to i32
    %cond3A_6 = arith.constant 0 : i32
    %cond3A_7 = arith.cmpi ne, %convert_element_type3A_5, %cond3A_6 : i32
    scf.if %cond3A_7 {
      %mul3A_25 = arith.constant 640 : i32
      %mul3A_26 = arith.muli %arg1, %mul3A_25 : i32
      "tpu.region"() ({
        %run_scoped3A = tpu.sem_alloc : memref<!tpu.dma_semaphore, #tpu.memory_space<semaphore_mem>>
        %dma_start3A = arith.constant 0 : i32
        %dma_start3A_27 = tpu.memref_slice %arg6[%mul3A_26, %dma_start3A] : memref<10240x128xf32, #tpu.memory_space<vmem_shared>> -> memref<640x128xf32, #tpu.memory_space<vmem_shared>>
        tpu.enqueue_dma source(%arg4 : memref<640x128xf32, #tpu.memory_space<hbm>>) target(%dma_start3A_27 : memref<640x128xf32, #tpu.memory_space<vmem_shared>>) target_semaphore(%run_scoped3A : memref<!tpu.dma_semaphore, #tpu.memory_space<semaphore_mem>>)
        %dma_wait3A = arith.constant 0 : i32
        %dma_wait3A_28 = tpu.memref_slice %arg6[%mul3A_26, %dma_wait3A] : memref<10240x128xf32, #tpu.memory_space<vmem_shared>> -> memref<640x128xf32, #tpu.memory_space<vmem_shared>>
        tpu.wait_dma2 semaphore(%run_scoped3A : memref<!tpu.dma_semaphore, #tpu.memory_space<semaphore_mem>>) src(%arg4 : memref<640x128xf32, #tpu.memory_space<hbm>>) dst(%dma_wait3A_28 : memref<640x128xf32, #tpu.memory_space<vmem_shared>>)
        tpu.yield
      }) : () -> ()
    } else {
    }
    "tpu.trace_stop"() : () -> ()
    %barrier3A = arith.constant 0 : index
    tpu.barrier barrier_id(%barrier3A)
    %lt3A = arith.constant 31 : i32
    "tpu.trace_start"() <{level = 10 : i32, message = "ph_edges"}> : () -> ()
    %lt3A_8 = arith.cmpi slt, %add3A, %lt3A : i32
    %convert_element_type3A_9 = arith.extui %lt3A_8 : i1 to i32
    %cond3A_10 = arith.constant 0 : i32
    %cond3A_11 = arith.cmpi ne, %convert_element_type3A_9, %cond3A_10 : i32
    scf.if %cond3A_11 {
      %scan3A = arith.constant 0 : i32
      %scan3A_25 = arith.constant 0 : i32
      %scan3A_26 = arith.constant 2 : i32
      %scan3A_27 = arith.addi %scan3A_25, %scan3A_26 : i32
      %scan3A_28 = arith.constant 1 : i32
      scf.for %scan3A_30 = %scan3A_25 to %scan3A_27 step %scan3A_28  : i32 {
        %mul3A_31 = arith.constant 80 : i32
        %mul3A_32 = arith.muli %add3A, %mul3A_31 : i32
        %mul3A_33 = arith.constant 40 : i32
        %mul3A_34 = arith.muli %scan3A_30, %mul3A_33 : i32
        %add3A_35 = arith.addi %mul3A_32, %mul3A_34 : i32
        %run_scoped3A = arith.constant 0 : i32
        "tpu.region"() ({
          %run_scoped3A_56 = tpu.sem_alloc : memref<!tpu.dma_semaphore, #tpu.memory_space<semaphore_mem>>
          %dma_start3A_57 = arith.constant 0 : i32
          %dma_start3A_58 = arith.constant 0 : i32
          %dma_start3A_59 = tpu.memref_slice %arg7[%dma_start3A_57, %dma_start3A_58] : memref<40x128xi32, #tpu.memory_space<vmem>> -> memref<40x128xi32, #tpu.memory_space<vmem>>
          %dma_start3A_60 = arith.constant 0 : i32
          %dma_start3A_61 = tpu.memref_slice %arg3[%run_scoped3A, %add3A_35, %dma_start3A_60] : memref<2x2500x128xi32, #tpu.memory_space<hbm>> -> memref<1x40x128xi32, #tpu.memory_space<hbm>>
          %dma_start3A_62 = tpu.memref_squeeze %dma_start3A_61 : memref<1x40x128xi32, #tpu.memory_space<hbm>> -> memref<40x128xi32, #tpu.memory_space<hbm>>
          %dma_start3A_63 = arith.constant 0 : i32
          %dma_start3A_64 = arith.constant 0 : i32
          %dma_start3A_65 = tpu.memref_slice %arg7[%dma_start3A_63, %dma_start3A_64] : memref<40x128xi32, #tpu.memory_space<vmem>> -> memref<40x128xi32, #tpu.memory_space<vmem>>
          %dma_start3A_66 = arith.constant 0 : i32
          %dma_start3A_67 = tpu.memref_slice %arg3[%run_scoped3A, %add3A_35, %dma_start3A_66] : memref<2x2500x128xi32, #tpu.memory_space<hbm>> -> memref<1x40x128xi32, #tpu.memory_space<hbm>>
          %dma_start3A_68 = tpu.memref_squeeze %dma_start3A_67 : memref<1x40x128xi32, #tpu.memory_space<hbm>> -> memref<40x128xi32, #tpu.memory_space<hbm>>
          tpu.enqueue_dma source(%dma_start3A_68 : memref<40x128xi32, #tpu.memory_space<hbm>>) target(%dma_start3A_65 : memref<40x128xi32, #tpu.memory_space<vmem>>) target_semaphore(%run_scoped3A_56 : memref<!tpu.dma_semaphore, #tpu.memory_space<semaphore_mem>>)
          %dma_wait3A = arith.constant 0 : i32
          %dma_wait3A_69 = arith.constant 0 : i32
          %dma_wait3A_70 = tpu.memref_slice %arg7[%dma_wait3A, %dma_wait3A_69] : memref<40x128xi32, #tpu.memory_space<vmem>> -> memref<40x128xi32, #tpu.memory_space<vmem>>
          %dma_wait3A_71 = arith.constant 0 : i32
          %dma_wait3A_72 = tpu.memref_slice %arg3[%run_scoped3A, %add3A_35, %dma_wait3A_71] : memref<2x2500x128xi32, #tpu.memory_space<hbm>> -> memref<1x40x128xi32, #tpu.memory_space<hbm>>
          %dma_wait3A_73 = tpu.memref_squeeze %dma_wait3A_72 : memref<1x40x128xi32, #tpu.memory_space<hbm>> -> memref<40x128xi32, #tpu.memory_space<hbm>>
          %dma_wait3A_74 = arith.constant 0 : i32
          %dma_wait3A_75 = arith.constant 0 : i32
          %dma_wait3A_76 = tpu.memref_slice %arg7[%dma_wait3A_74, %dma_wait3A_75] : memref<40x128xi32, #tpu.memory_space<vmem>> -> memref<40x128xi32, #tpu.memory_space<vmem>>
          %dma_wait3A_77 = arith.constant 0 : i32
          %dma_wait3A_78 = tpu.memref_slice %arg3[%run_scoped3A, %add3A_35, %dma_wait3A_77] : memref<2x2500x128xi32, #tpu.memory_space<hbm>> -> memref<1x40x128xi32, #tpu.memory_space<hbm>>
          %dma_wait3A_79 = tpu.memref_squeeze %dma_wait3A_78 : memref<1x40x128xi32, #tpu.memory_space<hbm>> -> memref<40x128xi32, #tpu.memory_space<hbm>>
          tpu.wait_dma2 semaphore(%run_scoped3A_56 : memref<!tpu.dma_semaphore, #tpu.memory_space<semaphore_mem>>) src(%dma_wait3A_79 : memref<40x128xi32, #tpu.memory_space<hbm>>) dst(%dma_wait3A_76 : memref<40x128xi32, #tpu.memory_space<vmem>>)
          tpu.yield
        }) : () -> ()
        %run_scoped3A_36 = arith.constant 1 : i32
        "tpu.region"() ({
          %run_scoped3A_56 = tpu.sem_alloc : memref<!tpu.dma_semaphore, #tpu.memory_space<semaphore_mem>>
          %dma_start3A_57 = arith.constant 0 : i32
          %dma_start3A_58 = arith.constant 0 : i32
          %dma_start3A_59 = tpu.memref_slice %arg8[%dma_start3A_57, %dma_start3A_58] : memref<40x128xi32, #tpu.memory_space<vmem>> -> memref<40x128xi32, #tpu.memory_space<vmem>>
          %dma_start3A_60 = arith.constant 0 : i32
          %dma_start3A_61 = tpu.memref_slice %arg3[%run_scoped3A_36, %add3A_35, %dma_start3A_60] : memref<2x2500x128xi32, #tpu.memory_space<hbm>> -> memref<1x40x128xi32, #tpu.memory_space<hbm>>
          %dma_start3A_62 = tpu.memref_squeeze %dma_start3A_61 : memref<1x40x128xi32, #tpu.memory_space<hbm>> -> memref<40x128xi32, #tpu.memory_space<hbm>>
          %dma_start3A_63 = arith.constant 0 : i32
          %dma_start3A_64 = arith.constant 0 : i32
          %dma_start3A_65 = tpu.memref_slice %arg8[%dma_start3A_63, %dma_start3A_64] : memref<40x128xi32, #tpu.memory_space<vmem>> -> memref<40x128xi32, #tpu.memory_space<vmem>>
          %dma_start3A_66 = arith.constant 0 : i32
          %dma_start3A_67 = tpu.memref_slice %arg3[%run_scoped3A_36, %add3A_35, %dma_start3A_66] : memref<2x2500x128xi32, #tpu.memory_space<hbm>> -> memref<1x40x128xi32, #tpu.memory_space<hbm>>
          %dma_start3A_68 = tpu.memref_squeeze %dma_start3A_67 : memref<1x40x128xi32, #tpu.memory_space<hbm>> -> memref<40x128xi32, #tpu.memory_space<hbm>>
          tpu.enqueue_dma source(%dma_start3A_68 : memref<40x128xi32, #tpu.memory_space<hbm>>) target(%dma_start3A_65 : memref<40x128xi32, #tpu.memory_space<vmem>>) target_semaphore(%run_scoped3A_56 : memref<!tpu.dma_semaphore, #tpu.memory_space<semaphore_mem>>)
          %dma_wait3A = arith.constant 0 : i32
          %dma_wait3A_69 = arith.constant 0 : i32
          %dma_wait3A_70 = tpu.memref_slice %arg8[%dma_wait3A, %dma_wait3A_69] : memref<40x128xi32, #tpu.memory_space<vmem>> -> memref<40x128xi32, #tpu.memory_space<vmem>>
          %dma_wait3A_71 = arith.constant 0 : i32
          %dma_wait3A_72 = tpu.memref_slice %arg3[%run_scoped3A_36, %add3A_35, %dma_wait3A_71] : memref<2x2500x128xi32, #tpu.memory_space<hbm>> -> memref<1x40x128xi32, #tpu.memory_space<hbm>>
          %dma_wait3A_73 = tpu.memref_squeeze %dma_wait3A_72 : memref<1x40x128xi32, #tpu.memory_space<hbm>> -> memref<40x128xi32, #tpu.memory_space<hbm>>
          %dma_wait3A_74 = arith.constant 0 : i32
          %dma_wait3A_75 = arith.constant 0 : i32
          %dma_wait3A_76 = tpu.memref_slice %arg8[%dma_wait3A_74, %dma_wait3A_75] : memref<40x128xi32, #tpu.memory_space<vmem>> -> memref<40x128xi32, #tpu.memory_space<vmem>>
          %dma_wait3A_77 = arith.constant 0 : i32
          %dma_wait3A_78 = tpu.memref_slice %arg3[%run_scoped3A_36, %add3A_35, %dma_wait3A_77] : memref<2x2500x128xi32, #tpu.memory_space<hbm>> -> memref<1x40x128xi32, #tpu.memory_space<hbm>>
          %dma_wait3A_79 = tpu.memref_squeeze %dma_wait3A_78 : memref<1x40x128xi32, #tpu.memory_space<hbm>> -> memref<40x128xi32, #tpu.memory_space<hbm>>
          tpu.wait_dma2 semaphore(%run_scoped3A_56 : memref<!tpu.dma_semaphore, #tpu.memory_space<semaphore_mem>>) src(%dma_wait3A_79 : memref<40x128xi32, #tpu.memory_space<hbm>>) dst(%dma_wait3A_76 : memref<40x128xi32, #tpu.memory_space<vmem>>)
          tpu.yield
        }) : () -> ()
        %dma_start3A = arith.constant 0 : i32
        %dma_start3A_37 = arith.constant 0 : i32
        %dma_start3A_38 = tpu.memref_slice %arg7[%dma_start3A, %dma_start3A_37] : memref<40x128xi32, #tpu.memory_space<vmem>> -> memref<1x128xi32, #tpu.memory_space<vmem>>
        %dma_start3A_39 = tpu.memref_squeeze %dma_start3A_38 : memref<1x128xi32, #tpu.memory_space<vmem>> -> memref<128xi32, #tpu.memory_space<vmem>>
        %dma_start3A_40 = arith.constant 0 : i32
        %dma_start3A_41 = arith.constant 0 : i32
        %dma_start3A_42 = tpu.memref_slice %arg2[%dma_start3A_40, %dma_start3A_41] : memref<10000x128xf32, #tpu.memory_space<hbm>> -> memref<10000x128xf32, #tpu.memory_space<hbm>>
        tpu.enqueue_indirect_dma source(%dma_start3A_42 : memref<10000x128xf32, #tpu.memory_space<hbm>>) target(%arg9 : memref<128x128xf32, #tpu.memory_space<vmem>>) offsets(%dma_start3A_39 : memref<128xi32, #tpu.memory_space<vmem>>) semaphore(%arg11 : memref<!tpu.dma_semaphore, #tpu.memory_space<semaphore_mem>>)
        %dma_start3A_43 = arith.constant 1 : i32
        %dma_start3A_44 = arith.constant 0 : i32
        %dma_start3A_45 = tpu.memref_slice %arg7[%dma_start3A_43, %dma_start3A_44] : memref<40x128xi32, #tpu.memory_space<vmem>> -> memref<1x128xi32, #tpu.memory_space<vmem>>
        %dma_start3A_46 = tpu.memref_squeeze %dma_start3A_45 : memref<1x128xi32, #tpu.memory_space<vmem>> -> memref<128xi32, #tpu.memory_space<vmem>>
        %dma_start3A_47 = arith.constant 0 : i32
        %dma_start3A_48 = arith.constant 0 : i32
        %dma_start3A_49 = tpu.memref_slice %arg2[%dma_start3A_47, %dma_start3A_48] : memref<10000x128xf32, #tpu.memory_space<hbm>> -> memref<10000x128xf32, #tpu.memory_space<hbm>>
        tpu.enqueue_indirect_dma source(%dma_start3A_49 : memref<10000x128xf32, #tpu.memory_space<hbm>>) target(%arg10 : memref<128x128xf32, #tpu.memory_space<vmem>>) offsets(%dma_start3A_46 : memref<128xi32, #tpu.memory_space<vmem>>) semaphore(%arg12 : memref<!tpu.dma_semaphore, #tpu.memory_space<semaphore_mem>>)
        %scan3A_50 = arith.constant 0 : i32
        %scan3A_51 = arith.constant 0 : i32
        %scan3A_52 = arith.constant 20 : i32
        %scan3A_53 = arith.addi %scan3A_51, %scan3A_52 : i32
        %scan3A_54 = arith.constant 1 : i32
        scf.for %scan3A_56 = %scan3A_51 to %scan3A_53 step %scan3A_54  : i32 {
          %mul3A_57 = arith.constant 2 : i32
          %mul3A_58 = arith.muli %mul3A_57, %scan3A_56 : i32
          %add3A_59 = arith.constant 0 : i32
          %add3A_60 = arith.addi %mul3A_58, %add3A_59 : i32
          %dma_wait3A = arith.constant 0 : i32
          %dma_wait3A_61 = tpu.memref_slice %arg7[%add3A_60, %dma_wait3A] : memref<40x128xi32, #tpu.memory_space<vmem>> -> memref<1x128xi32, #tpu.memory_space<vmem>>
          %dma_wait3A_62 = tpu.memref_squeeze %dma_wait3A_61 : memref<1x128xi32, #tpu.memory_space<vmem>> -> memref<128xi32, #tpu.memory_space<vmem>>
          %dma_wait3A_63 = arith.constant 0 : i32
          %dma_wait3A_64 = arith.constant 0 : i32
          %dma_wait3A_65 = tpu.memref_slice %arg2[%dma_wait3A_63, %dma_wait3A_64] : memref<10000x128xf32, #tpu.memory_space<hbm>> -> memref<10000x128xf32, #tpu.memory_space<hbm>>
          tpu.wait_indirect_dma semaphore(%arg11 : memref<!tpu.dma_semaphore, #tpu.memory_space<semaphore_mem>>) src(%dma_wait3A_65 : memref<10000x128xf32, #tpu.memory_space<hbm>>) dst(%arg9 : memref<128x128xf32, #tpu.memory_space<vmem>>)
          %add3A_66 = arith.constant 0 : i32
          %add3A_67 = arith.addi %mul3A_58, %add3A_66 : i32
          "tpu.region"() ({
            %run_scoped3A_96 = tpu.sem_alloc : memref<!tpu.dma_semaphore, #tpu.memory_space<semaphore_mem>>
            %dma_start3A_97 = arith.constant 0 : i32
            %dma_start3A_98 = tpu.memref_slice %arg8[%add3A_67, %dma_start3A_97] : memref<40x128xi32, #tpu.memory_space<vmem>> -> memref<1x128xi32, #tpu.memory_space<vmem>>
            %dma_start3A_99 = tpu.memref_squeeze %dma_start3A_98 : memref<1x128xi32, #tpu.memory_space<vmem>> -> memref<128xi32, #tpu.memory_space<vmem>>
            %dma_start3A_100 = arith.constant 0 : i32
            %dma_start3A_101 = arith.constant 0 : i32
            %dma_start3A_102 = tpu.memref_slice %arg6[%dma_start3A_100, %dma_start3A_101] : memref<10240x128xf32, #tpu.memory_space<vmem_shared>> -> memref<10240x128xf32, #tpu.memory_space<vmem_shared>>
            tpu.enqueue_indirect_dma source(%arg9 : memref<128x128xf32, #tpu.memory_space<vmem>>) target(%dma_start3A_102 : memref<10240x128xf32, #tpu.memory_space<vmem_shared>>) offsets(%dma_start3A_99 : memref<128xi32, #tpu.memory_space<vmem>>) semaphore(%run_scoped3A_96 : memref<!tpu.dma_semaphore, #tpu.memory_space<semaphore_mem>>) {add = true}
            %dma_wait3A_103 = arith.constant 0 : i32
            %dma_wait3A_104 = tpu.memref_slice %arg8[%add3A_67, %dma_wait3A_103] : memref<40x128xi32, #tpu.memory_space<vmem>> -> memref<1x128xi32, #tpu.memory_space<vmem>>
            %dma_wait3A_105 = tpu.memref_squeeze %dma_wait3A_104 : memref<1x128xi32, #tpu.memory_space<vmem>> -> memref<128xi32, #tpu.memory_space<vmem>>
            %dma_wait3A_106 = arith.constant 0 : i32
            %dma_wait3A_107 = arith.constant 0 : i32
            %dma_wait3A_108 = tpu.memref_slice %arg6[%dma_wait3A_106, %dma_wait3A_107] : memref<10240x128xf32, #tpu.memory_space<vmem_shared>> -> memref<10240x128xf32, #tpu.memory_space<vmem_shared>>
            tpu.wait_indirect_dma semaphore(%run_scoped3A_96 : memref<!tpu.dma_semaphore, #tpu.memory_space<semaphore_mem>>) src(%arg9 : memref<128x128xf32, #tpu.memory_space<vmem>>) dst(%dma_wait3A_108 : memref<10240x128xf32, #tpu.memory_space<vmem_shared>>)
            tpu.yield
          }) : () -> ()
          %add3A_68 = arith.constant 0 : i32
          %add3A_69 = arith.addi %mul3A_58, %add3A_68 : i32
          %add3A_70 = arith.constant 2 : i32
          %add3A_71 = arith.addi %add3A_69, %add3A_70 : i32
          %lt3A_72 = arith.constant 40 : i32
          %lt3A_73 = arith.cmpi slt, %add3A_71, %lt3A_72 : i32
          %convert_element_type3A_74 = arith.extui %lt3A_73 : i1 to i32
          %cond3A_75 = arith.constant 0 : i32
          %cond3A_76 = arith.cmpi ne, %convert_element_type3A_74, %cond3A_75 : i32
          scf.if %cond3A_76 {
            %add3A_96 = arith.constant 0 : i32
            %add3A_97 = arith.addi %mul3A_58, %add3A_96 : i32
            %add3A_98 = arith.constant 2 : i32
            %add3A_99 = arith.addi %add3A_97, %add3A_98 : i32
            %dma_start3A_100 = arith.constant 0 : i32
            %dma_start3A_101 = tpu.memref_slice %arg7[%add3A_99, %dma_start3A_100] : memref<40x128xi32, #tpu.memory_space<vmem>> -> memref<1x128xi32, #tpu.memory_space<vmem>>
            %dma_start3A_102 = tpu.memref_squeeze %dma_start3A_101 : memref<1x128xi32, #tpu.memory_space<vmem>> -> memref<128xi32, #tpu.memory_space<vmem>>
            %dma_start3A_103 = arith.constant 0 : i32
            %dma_start3A_104 = arith.constant 0 : i32
            %dma_start3A_105 = tpu.memref_slice %arg2[%dma_start3A_103, %dma_start3A_104] : memref<10000x128xf32, #tpu.memory_space<hbm>> -> memref<10000x128xf32, #tpu.memory_space<hbm>>
            tpu.enqueue_indirect_dma source(%dma_start3A_105 : memref<10000x128xf32, #tpu.memory_space<hbm>>) target(%arg9 : memref<128x128xf32, #tpu.memory_space<vmem>>) offsets(%dma_start3A_102 : memref<128xi32, #tpu.memory_space<vmem>>) semaphore(%arg11 : memref<!tpu.dma_semaphore, #tpu.memory_space<semaphore_mem>>)
          } else {
          }
          %add3A_77 = arith.constant 1 : i32
          %add3A_78 = arith.addi %mul3A_58, %add3A_77 : i32
          %dma_wait3A_79 = arith.constant 0 : i32
          %dma_wait3A_80 = tpu.memref_slice %arg7[%add3A_78, %dma_wait3A_79] : memref<40x128xi32, #tpu.memory_space<vmem>> -> memref<1x128xi32, #tpu.memory_space<vmem>>
          %dma_wait3A_81 = tpu.memref_squeeze %dma_wait3A_80 : memref<1x128xi32, #tpu.memory_space<vmem>> -> memref<128xi32, #tpu.memory_space<vmem>>
          %dma_wait3A_82 = arith.constant 0 : i32
          %dma_wait3A_83 = arith.constant 0 : i32
          %dma_wait3A_84 = tpu.memref_slice %arg2[%dma_wait3A_82, %dma_wait3A_83] : memref<10000x128xf32, #tpu.memory_space<hbm>> -> memref<10000x128xf32, #tpu.memory_space<hbm>>
          tpu.wait_indirect_dma semaphore(%arg12 : memref<!tpu.dma_semaphore, #tpu.memory_space<semaphore_mem>>) src(%dma_wait3A_84 : memref<10000x128xf32, #tpu.memory_space<hbm>>) dst(%arg10 : memref<128x128xf32, #tpu.memory_space<vmem>>)
          %add3A_85 = arith.constant 1 : i32
          %add3A_86 = arith.addi %mul3A_58, %add3A_85 : i32
          "tpu.region"() ({
            %run_scoped3A_96 = tpu.sem_alloc : memref<!tpu.dma_semaphore, #tpu.memory_space<semaphore_mem>>
            %dma_start3A_97 = arith.constant 0 : i32
            %dma_start3A_98 = tpu.memref_slice %arg8[%add3A_86, %dma_start3A_97] : memref<40x128xi32, #tpu.memory_space<vmem>> -> memref<1x128xi32, #tpu.memory_space<vmem>>
            %dma_start3A_99 = tpu.memref_squeeze %dma_start3A_98 : memref<1x128xi32, #tpu.memory_space<vmem>> -> memref<128xi32, #tpu.memory_space<vmem>>
            %dma_start3A_100 = arith.constant 0 : i32
            %dma_start3A_101 = arith.constant 0 : i32
            %dma_start3A_102 = tpu.memref_slice %arg6[%dma_start3A_100, %dma_start3A_101] : memref<10240x128xf32, #tpu.memory_space<vmem_shared>> -> memref<10240x128xf32, #tpu.memory_space<vmem_shared>>
            tpu.enqueue_indirect_dma source(%arg10 : memref<128x128xf32, #tpu.memory_space<vmem>>) target(%dma_start3A_102 : memref<10240x128xf32, #tpu.memory_space<vmem_shared>>) offsets(%dma_start3A_99 : memref<128xi32, #tpu.memory_space<vmem>>) semaphore(%run_scoped3A_96 : memref<!tpu.dma_semaphore, #tpu.memory_space<semaphore_mem>>) {add = true}
            %dma_wait3A_103 = arith.constant 0 : i32
            %dma_wait3A_104 = tpu.memref_slice %arg8[%add3A_86, %dma_wait3A_103] : memref<40x128xi32, #tpu.memory_space<vmem>> -> memref<1x128xi32, #tpu.memory_space<vmem>>
            %dma_wait3A_105 = tpu.memref_squeeze %dma_wait3A_104 : memref<1x128xi32, #tpu.memory_space<vmem>> -> memref<128xi32, #tpu.memory_space<vmem>>
            %dma_wait3A_106 = arith.constant 0 : i32
            %dma_wait3A_107 = arith.constant 0 : i32
            %dma_wait3A_108 = tpu.memref_slice %arg6[%dma_wait3A_106, %dma_wait3A_107] : memref<10240x128xf32, #tpu.memory_space<vmem_shared>> -> memref<10240x128xf32, #tpu.memory_space<vmem_shared>>
            tpu.wait_indirect_dma semaphore(%run_scoped3A_96 : memref<!tpu.dma_semaphore, #tpu.memory_space<semaphore_mem>>) src(%arg10 : memref<128x128xf32, #tpu.memory_space<vmem>>) dst(%dma_wait3A_108 : memref<10240x128xf32, #tpu.memory_space<vmem_shared>>)
            tpu.yield
          }) : () -> ()
          %add3A_87 = arith.constant 1 : i32
          %add3A_88 = arith.addi %mul3A_58, %add3A_87 : i32
          %add3A_89 = arith.constant 2 : i32
          %add3A_90 = arith.addi %add3A_88, %add3A_89 : i32
          %lt3A_91 = arith.constant 40 : i32
          %lt3A_92 = arith.cmpi slt, %add3A_90, %lt3A_91 : i32
          %convert_element_type3A_93 = arith.extui %lt3A_92 : i1 to i32
          %cond3A_94 = arith.constant 0 : i32
          %cond3A_95 = arith.cmpi ne, %convert_element_type3A_93, %cond3A_94 : i32
          scf.if %cond3A_95 {
            %add3A_96 = arith.constant 1 : i32
            %add3A_97 = arith.addi %mul3A_58, %add3A_96 : i32
            %add3A_98 = arith.constant 2 : i32
            %add3A_99 = arith.addi %add3A_97, %add3A_98 : i32
            %dma_start3A_100 = arith.constant 0 : i32
            %dma_start3A_101 = tpu.memref_slice %arg7[%add3A_99, %dma_start3A_100] : memref<40x128xi32, #tpu.memory_space<vmem>> -> memref<1x128xi32, #tpu.memory_space<vmem>>
            %dma_start3A_102 = tpu.memref_squeeze %dma_start3A_101 : memref<1x128xi32, #tpu.memory_space<vmem>> -> memref<128xi32, #tpu.memory_space<vmem>>
            %dma_start3A_103 = arith.constant 0 : i32
            %dma_start3A_104 = arith.constant 0 : i32
            %dma_start3A_105 = tpu.memref_slice %arg2[%dma_start3A_103, %dma_start3A_104] : memref<10000x128xf32, #tpu.memory_space<hbm>> -> memref<10000x128xf32, #tpu.memory_space<hbm>>
            tpu.enqueue_indirect_dma source(%dma_start3A_105 : memref<10000x128xf32, #tpu.memory_space<hbm>>) target(%arg10 : memref<128x128xf32, #tpu.memory_space<vmem>>) offsets(%dma_start3A_102 : memref<128xi32, #tpu.memory_space<vmem>>) semaphore(%arg12 : memref<!tpu.dma_semaphore, #tpu.memory_space<semaphore_mem>>)
          } else {
          }
        }
        %scan3A_55 = arith.constant 20 : i32
      }
      %scan3A_29 = arith.constant 2 : i32
    } else {
    }
    %eq3A_12 = arith.constant 31 : i32
    %eq3A_13 = arith.cmpi eq, %add3A, %eq3A_12 : i32
    %convert_element_type3A_14 = arith.extui %eq3A_13 : i1 to i32
    %cond3A_15 = arith.constant 0 : i32
    %cond3A_16 = arith.cmpi ne, %convert_element_type3A_14, %cond3A_15 : i32
    scf.if %cond3A_16 {
      %run_scoped3A = arith.constant 0 : i32
      "tpu.region"() ({
        %run_scoped3A_44 = tpu.sem_alloc : memref<!tpu.dma_semaphore, #tpu.memory_space<semaphore_mem>>
        %dma_start3A_45 = arith.constant 0 : i32
        %dma_start3A_46 = arith.constant 0 : i32
        %dma_start3A_47 = tpu.memref_slice %arg7[%dma_start3A_45, %dma_start3A_46] : memref<40x128xi32, #tpu.memory_space<vmem>> -> memref<20x128xi32, #tpu.memory_space<vmem>>
        %dma_start3A_48 = arith.constant 2480 : i32
        %dma_start3A_49 = arith.constant 0 : i32
        %dma_start3A_50 = tpu.memref_slice %arg3[%run_scoped3A, %dma_start3A_48, %dma_start3A_49] : memref<2x2500x128xi32, #tpu.memory_space<hbm>> -> memref<1x20x128xi32, #tpu.memory_space<hbm>>
        %dma_start3A_51 = tpu.memref_squeeze %dma_start3A_50 : memref<1x20x128xi32, #tpu.memory_space<hbm>> -> memref<20x128xi32, #tpu.memory_space<hbm>>
        %dma_start3A_52 = arith.constant 0 : i32
        %dma_start3A_53 = arith.constant 0 : i32
        %dma_start3A_54 = tpu.memref_slice %arg7[%dma_start3A_52, %dma_start3A_53] : memref<40x128xi32, #tpu.memory_space<vmem>> -> memref<20x128xi32, #tpu.memory_space<vmem>>
        %dma_start3A_55 = arith.constant 2480 : i32
        %dma_start3A_56 = arith.constant 0 : i32
        %dma_start3A_57 = tpu.memref_slice %arg3[%run_scoped3A, %dma_start3A_55, %dma_start3A_56] : memref<2x2500x128xi32, #tpu.memory_space<hbm>> -> memref<1x20x128xi32, #tpu.memory_space<hbm>>
        %dma_start3A_58 = tpu.memref_squeeze %dma_start3A_57 : memref<1x20x128xi32, #tpu.memory_space<hbm>> -> memref<20x128xi32, #tpu.memory_space<hbm>>
        tpu.enqueue_dma source(%dma_start3A_58 : memref<20x128xi32, #tpu.memory_space<hbm>>) target(%dma_start3A_54 : memref<20x128xi32, #tpu.memory_space<vmem>>) target_semaphore(%run_scoped3A_44 : memref<!tpu.dma_semaphore, #tpu.memory_space<semaphore_mem>>)
        %dma_wait3A = arith.constant 0 : i32
        %dma_wait3A_59 = arith.constant 0 : i32
        %dma_wait3A_60 = tpu.memref_slice %arg7[%dma_wait3A, %dma_wait3A_59] : memref<40x128xi32, #tpu.memory_space<vmem>> -> memref<20x128xi32, #tpu.memory_space<vmem>>
        %dma_wait3A_61 = arith.constant 2480 : i32
        %dma_wait3A_62 = arith.constant 0 : i32
        %dma_wait3A_63 = tpu.memref_slice %arg3[%run_scoped3A, %dma_wait3A_61, %dma_wait3A_62] : memref<2x2500x128xi32, #tpu.memory_space<hbm>> -> memref<1x20x128xi32, #tpu.memory_space<hbm>>
        %dma_wait3A_64 = tpu.memref_squeeze %dma_wait3A_63 : memref<1x20x128xi32, #tpu.memory_space<hbm>> -> memref<20x128xi32, #tpu.memory_space<hbm>>
        %dma_wait3A_65 = arith.constant 0 : i32
        %dma_wait3A_66 = arith.constant 0 : i32
        %dma_wait3A_67 = tpu.memref_slice %arg7[%dma_wait3A_65, %dma_wait3A_66] : memref<40x128xi32, #tpu.memory_space<vmem>> -> memref<20x128xi32, #tpu.memory_space<vmem>>
        %dma_wait3A_68 = arith.constant 2480 : i32
        %dma_wait3A_69 = arith.constant 0 : i32
        %dma_wait3A_70 = tpu.memref_slice %arg3[%run_scoped3A, %dma_wait3A_68, %dma_wait3A_69] : memref<2x2500x128xi32, #tpu.memory_space<hbm>> -> memref<1x20x128xi32, #tpu.memory_space<hbm>>
        %dma_wait3A_71 = tpu.memref_squeeze %dma_wait3A_70 : memref<1x20x128xi32, #tpu.memory_space<hbm>> -> memref<20x128xi32, #tpu.memory_space<hbm>>
        tpu.wait_dma2 semaphore(%run_scoped3A_44 : memref<!tpu.dma_semaphore, #tpu.memory_space<semaphore_mem>>) src(%dma_wait3A_71 : memref<20x128xi32, #tpu.memory_space<hbm>>) dst(%dma_wait3A_67 : memref<20x128xi32, #tpu.memory_space<vmem>>)
        tpu.yield
      }) : () -> ()
      %run_scoped3A_25 = arith.constant 1 : i32
      "tpu.region"() ({
        %run_scoped3A_44 = tpu.sem_alloc : memref<!tpu.dma_semaphore, #tpu.memory_space<semaphore_mem>>
        %dma_start3A_45 = arith.constant 0 : i32
        %dma_start3A_46 = arith.constant 0 : i32
        %dma_start3A_47 = tpu.memref_slice %arg8[%dma_start3A_45, %dma_start3A_46] : memref<40x128xi32, #tpu.memory_space<vmem>> -> memref<20x128xi32, #tpu.memory_space<vmem>>
        %dma_start3A_48 = arith.constant 2480 : i32
        %dma_start3A_49 = arith.constant 0 : i32
        %dma_start3A_50 = tpu.memref_slice %arg3[%run_scoped3A_25, %dma_start3A_48, %dma_start3A_49] : memref<2x2500x128xi32, #tpu.memory_space<hbm>> -> memref<1x20x128xi32, #tpu.memory_space<hbm>>
        %dma_start3A_51 = tpu.memref_squeeze %dma_start3A_50 : memref<1x20x128xi32, #tpu.memory_space<hbm>> -> memref<20x128xi32, #tpu.memory_space<hbm>>
        %dma_start3A_52 = arith.constant 0 : i32
        %dma_start3A_53 = arith.constant 0 : i32
        %dma_start3A_54 = tpu.memref_slice %arg8[%dma_start3A_52, %dma_start3A_53] : memref<40x128xi32, #tpu.memory_space<vmem>> -> memref<20x128xi32, #tpu.memory_space<vmem>>
        %dma_start3A_55 = arith.constant 2480 : i32
        %dma_start3A_56 = arith.constant 0 : i32
        %dma_start3A_57 = tpu.memref_slice %arg3[%run_scoped3A_25, %dma_start3A_55, %dma_start3A_56] : memref<2x2500x128xi32, #tpu.memory_space<hbm>> -> memref<1x20x128xi32, #tpu.memory_space<hbm>>
        %dma_start3A_58 = tpu.memref_squeeze %dma_start3A_57 : memref<1x20x128xi32, #tpu.memory_space<hbm>> -> memref<20x128xi32, #tpu.memory_space<hbm>>
        tpu.enqueue_dma source(%dma_start3A_58 : memref<20x128xi32, #tpu.memory_space<hbm>>) target(%dma_start3A_54 : memref<20x128xi32, #tpu.memory_space<vmem>>) target_semaphore(%run_scoped3A_44 : memref<!tpu.dma_semaphore, #tpu.memory_space<semaphore_mem>>)
        %dma_wait3A = arith.constant 0 : i32
        %dma_wait3A_59 = arith.constant 0 : i32
        %dma_wait3A_60 = tpu.memref_slice %arg8[%dma_wait3A, %dma_wait3A_59] : memref<40x128xi32, #tpu.memory_space<vmem>> -> memref<20x128xi32, #tpu.memory_space<vmem>>
        %dma_wait3A_61 = arith.constant 2480 : i32
        %dma_wait3A_62 = arith.constant 0 : i32
        %dma_wait3A_63 = tpu.memref_slice %arg3[%run_scoped3A_25, %dma_wait3A_61, %dma_wait3A_62] : memref<2x2500x128xi32, #tpu.memory_space<hbm>> -> memref<1x20x128xi32, #tpu.memory_space<hbm>>
        %dma_wait3A_64 = tpu.memref_squeeze %dma_wait3A_63 : memref<1x20x128xi32, #tpu.memory_space<hbm>> -> memref<20x128xi32, #tpu.memory_space<hbm>>
        %dma_wait3A_65 = arith.constant 0 : i32
        %dma_wait3A_66 = arith.constant 0 : i32
        %dma_wait3A_67 = tpu.memref_slice %arg8[%dma_wait3A_65, %dma_wait3A_66] : memref<40x128xi32, #tpu.memory_space<vmem>> -> memref<20x128xi32, #tpu.memory_space<vmem>>
        %dma_wait3A_68 = arith.constant 2480 : i32
        %dma_wait3A_69 = arith.constant 0 : i32
        %dma_wait3A_70 = tpu.memref_slice %arg3[%run_scoped3A_25, %dma_wait3A_68, %dma_wait3A_69] : memref<2x2500x128xi32, #tpu.memory_space<hbm>> -> memref<1x20x128xi32, #tpu.memory_space<hbm>>
        %dma_wait3A_71 = tpu.memref_squeeze %dma_wait3A_70 : memref<1x20x128xi32, #tpu.memory_space<hbm>> -> memref<20x128xi32, #tpu.memory_space<hbm>>
        tpu.wait_dma2 semaphore(%run_scoped3A_44 : memref<!tpu.dma_semaphore, #tpu.memory_space<semaphore_mem>>) src(%dma_wait3A_71 : memref<20x128xi32, #tpu.memory_space<hbm>>) dst(%dma_wait3A_67 : memref<20x128xi32, #tpu.memory_space<vmem>>)
        tpu.yield
      }) : () -> ()
      %dma_start3A = arith.constant 0 : i32
      %dma_start3A_26 = arith.constant 0 : i32
      %dma_start3A_27 = tpu.memref_slice %arg7[%dma_start3A, %dma_start3A_26] : memref<40x128xi32, #tpu.memory_space<vmem>> -> memref<1x128xi32, #tpu.memory_space<vmem>>
      %dma_start3A_28 = tpu.memref_squeeze %dma_start3A_27 : memref<1x128xi32, #tpu.memory_space<vmem>> -> memref<128xi32, #tpu.memory_space<vmem>>
      %dma_start3A_29 = arith.constant 0 : i32
      %dma_start3A_30 = arith.constant 0 : i32
      %dma_start3A_31 = tpu.memref_slice %arg2[%dma_start3A_29, %dma_start3A_30] : memref<10000x128xf32, #tpu.memory_space<hbm>> -> memref<10000x128xf32, #tpu.memory_space<hbm>>
      tpu.enqueue_indirect_dma source(%dma_start3A_31 : memref<10000x128xf32, #tpu.memory_space<hbm>>) target(%arg9 : memref<128x128xf32, #tpu.memory_space<vmem>>) offsets(%dma_start3A_28 : memref<128xi32, #tpu.memory_space<vmem>>) semaphore(%arg11 : memref<!tpu.dma_semaphore, #tpu.memory_space<semaphore_mem>>)
      %dma_start3A_32 = arith.constant 1 : i32
      %dma_start3A_33 = arith.constant 0 : i32
      %dma_start3A_34 = tpu.memref_slice %arg7[%dma_start3A_32, %dma_start3A_33] : memref<40x128xi32, #tpu.memory_space<vmem>> -> memref<1x128xi32, #tpu.memory_space<vmem>>
      %dma_start3A_35 = tpu.memref_squeeze %dma_start3A_34 : memref<1x128xi32, #tpu.memory_space<vmem>> -> memref<128xi32, #tpu.memory_space<vmem>>
      %dma_start3A_36 = arith.constant 0 : i32
      %dma_start3A_37 = arith.constant 0 : i32
      %dma_start3A_38 = tpu.memref_slice %arg2[%dma_start3A_36, %dma_start3A_37] : memref<10000x128xf32, #tpu.memory_space<hbm>> -> memref<10000x128xf32, #tpu.memory_space<hbm>>
      tpu.enqueue_indirect_dma source(%dma_start3A_38 : memref<10000x128xf32, #tpu.memory_space<hbm>>) target(%arg10 : memref<128x128xf32, #tpu.memory_space<vmem>>) offsets(%dma_start3A_35 : memref<128xi32, #tpu.memory_space<vmem>>) semaphore(%arg12 : memref<!tpu.dma_semaphore, #tpu.memory_space<semaphore_mem>>)
      %scan3A = arith.constant 0 : i32
      %scan3A_39 = arith.constant 0 : i32
      %scan3A_40 = arith.constant 10 : i32
      %scan3A_41 = arith.addi %scan3A_39, %scan3A_40 : i32
      %scan3A_42 = arith.constant 1 : i32
      scf.for %scan3A_44 = %scan3A_39 to %scan3A_41 step %scan3A_42  : i32 {
        %mul3A_45 = arith.constant 2 : i32
        %mul3A_46 = arith.muli %mul3A_45, %scan3A_44 : i32
        %add3A_47 = arith.constant 0 : i32
        %add3A_48 = arith.addi %mul3A_46, %add3A_47 : i32
        %dma_wait3A = arith.constant 0 : i32
        %dma_wait3A_49 = tpu.memref_slice %arg7[%add3A_48, %dma_wait3A] : memref<40x128xi32, #tpu.memory_space<vmem>> -> memref<1x128xi32, #tpu.memory_space<vmem>>
        %dma_wait3A_50 = tpu.memref_squeeze %dma_wait3A_49 : memref<1x128xi32, #tpu.memory_space<vmem>> -> memref<128xi32, #tpu.memory_space<vmem>>
        %dma_wait3A_51 = arith.constant 0 : i32
        %dma_wait3A_52 = arith.constant 0 : i32
        %dma_wait3A_53 = tpu.memref_slice %arg2[%dma_wait3A_51, %dma_wait3A_52] : memref<10000x128xf32, #tpu.memory_space<hbm>> -> memref<10000x128xf32, #tpu.memory_space<hbm>>
        tpu.wait_indirect_dma semaphore(%arg11 : memref<!tpu.dma_semaphore, #tpu.memory_space<semaphore_mem>>) src(%dma_wait3A_53 : memref<10000x128xf32, #tpu.memory_space<hbm>>) dst(%arg9 : memref<128x128xf32, #tpu.memory_space<vmem>>)
        %add3A_54 = arith.constant 0 : i32
        %add3A_55 = arith.addi %mul3A_46, %add3A_54 : i32
        "tpu.region"() ({
          %run_scoped3A_84 = tpu.sem_alloc : memref<!tpu.dma_semaphore, #tpu.memory_space<semaphore_mem>>
          %dma_start3A_85 = arith.constant 0 : i32
          %dma_start3A_86 = tpu.memref_slice %arg8[%add3A_55, %dma_start3A_85] : memref<40x128xi32, #tpu.memory_space<vmem>> -> memref<1x128xi32, #tpu.memory_space<vmem>>
          %dma_start3A_87 = tpu.memref_squeeze %dma_start3A_86 : memref<1x128xi32, #tpu.memory_space<vmem>> -> memref<128xi32, #tpu.memory_space<vmem>>
          %dma_start3A_88 = arith.constant 0 : i32
          %dma_start3A_89 = arith.constant 0 : i32
          %dma_start3A_90 = tpu.memref_slice %arg6[%dma_start3A_88, %dma_start3A_89] : memref<10240x128xf32, #tpu.memory_space<vmem_shared>> -> memref<10240x128xf32, #tpu.memory_space<vmem_shared>>
          tpu.enqueue_indirect_dma source(%arg9 : memref<128x128xf32, #tpu.memory_space<vmem>>) target(%dma_start3A_90 : memref<10240x128xf32, #tpu.memory_space<vmem_shared>>) offsets(%dma_start3A_87 : memref<128xi32, #tpu.memory_space<vmem>>) semaphore(%run_scoped3A_84 : memref<!tpu.dma_semaphore, #tpu.memory_space<semaphore_mem>>) {add = true}
          %dma_wait3A_91 = arith.constant 0 : i32
          %dma_wait3A_92 = tpu.memref_slice %arg8[%add3A_55, %dma_wait3A_91] : memref<40x128xi32, #tpu.memory_space<vmem>> -> memref<1x128xi32, #tpu.memory_space<vmem>>
          %dma_wait3A_93 = tpu.memref_squeeze %dma_wait3A_92 : memref<1x128xi32, #tpu.memory_space<vmem>> -> memref<128xi32, #tpu.memory_space<vmem>>
          %dma_wait3A_94 = arith.constant 0 : i32
          %dma_wait3A_95 = arith.constant 0 : i32
          %dma_wait3A_96 = tpu.memref_slice %arg6[%dma_wait3A_94, %dma_wait3A_95] : memref<10240x128xf32, #tpu.memory_space<vmem_shared>> -> memref<10240x128xf32, #tpu.memory_space<vmem_shared>>
          tpu.wait_indirect_dma semaphore(%run_scoped3A_84 : memref<!tpu.dma_semaphore, #tpu.memory_space<semaphore_mem>>) src(%arg9 : memref<128x128xf32, #tpu.memory_space<vmem>>) dst(%dma_wait3A_96 : memref<10240x128xf32, #tpu.memory_space<vmem_shared>>)
          tpu.yield
        }) : () -> ()
        %add3A_56 = arith.constant 0 : i32
        %add3A_57 = arith.addi %mul3A_46, %add3A_56 : i32
        %add3A_58 = arith.constant 2 : i32
        %add3A_59 = arith.addi %add3A_57, %add3A_58 : i32
        %lt3A_60 = arith.constant 20 : i32
        %lt3A_61 = arith.cmpi slt, %add3A_59, %lt3A_60 : i32
        %convert_element_type3A_62 = arith.extui %lt3A_61 : i1 to i32
        %cond3A_63 = arith.constant 0 : i32
        %cond3A_64 = arith.cmpi ne, %convert_element_type3A_62, %cond3A_63 : i32
        scf.if %cond3A_64 {
          %add3A_84 = arith.constant 0 : i32
          %add3A_85 = arith.addi %mul3A_46, %add3A_84 : i32
          %add3A_86 = arith.constant 2 : i32
          %add3A_87 = arith.addi %add3A_85, %add3A_86 : i32
          %dma_start3A_88 = arith.constant 0 : i32
          %dma_start3A_89 = tpu.memref_slice %arg7[%add3A_87, %dma_start3A_88] : memref<40x128xi32, #tpu.memory_space<vmem>> -> memref<1x128xi32, #tpu.memory_space<vmem>>
          %dma_start3A_90 = tpu.memref_squeeze %dma_start3A_89 : memref<1x128xi32, #tpu.memory_space<vmem>> -> memref<128xi32, #tpu.memory_space<vmem>>
          %dma_start3A_91 = arith.constant 0 : i32
          %dma_start3A_92 = arith.constant 0 : i32
          %dma_start3A_93 = tpu.memref_slice %arg2[%dma_start3A_91, %dma_start3A_92] : memref<10000x128xf32, #tpu.memory_space<hbm>> -> memref<10000x128xf32, #tpu.memory_space<hbm>>
          tpu.enqueue_indirect_dma source(%dma_start3A_93 : memref<10000x128xf32, #tpu.memory_space<hbm>>) target(%arg9 : memref<128x128xf32, #tpu.memory_space<vmem>>) offsets(%dma_start3A_90 : memref<128xi32, #tpu.memory_space<vmem>>) semaphore(%arg11 : memref<!tpu.dma_semaphore, #tpu.memory_space<semaphore_mem>>)
        } else {
        }
        %add3A_65 = arith.constant 1 : i32
        %add3A_66 = arith.addi %mul3A_46, %add3A_65 : i32
        %dma_wait3A_67 = arith.constant 0 : i32
        %dma_wait3A_68 = tpu.memref_slice %arg7[%add3A_66, %dma_wait3A_67] : memref<40x128xi32, #tpu.memory_space<vmem>> -> memref<1x128xi32, #tpu.memory_space<vmem>>
        %dma_wait3A_69 = tpu.memref_squeeze %dma_wait3A_68 : memref<1x128xi32, #tpu.memory_space<vmem>> -> memref<128xi32, #tpu.memory_space<vmem>>
        %dma_wait3A_70 = arith.constant 0 : i32
        %dma_wait3A_71 = arith.constant 0 : i32
        %dma_wait3A_72 = tpu.memref_slice %arg2[%dma_wait3A_70, %dma_wait3A_71] : memref<10000x128xf32, #tpu.memory_space<hbm>> -> memref<10000x128xf32, #tpu.memory_space<hbm>>
        tpu.wait_indirect_dma semaphore(%arg12 : memref<!tpu.dma_semaphore, #tpu.memory_space<semaphore_mem>>) src(%dma_wait3A_72 : memref<10000x128xf32, #tpu.memory_space<hbm>>) dst(%arg10 : memref<128x128xf32, #tpu.memory_space<vmem>>)
        %add3A_73 = arith.constant 1 : i32
        %add3A_74 = arith.addi %mul3A_46, %add3A_73 : i32
        "tpu.region"() ({
          %run_scoped3A_84 = tpu.sem_alloc : memref<!tpu.dma_semaphore, #tpu.memory_space<semaphore_mem>>
          %dma_start3A_85 = arith.constant 0 : i32
          %dma_start3A_86 = tpu.memref_slice %arg8[%add3A_74, %dma_start3A_85] : memref<40x128xi32, #tpu.memory_space<vmem>> -> memref<1x128xi32, #tpu.memory_space<vmem>>
          %dma_start3A_87 = tpu.memref_squeeze %dma_start3A_86 : memref<1x128xi32, #tpu.memory_space<vmem>> -> memref<128xi32, #tpu.memory_space<vmem>>
          %dma_start3A_88 = arith.constant 0 : i32
          %dma_start3A_89 = arith.constant 0 : i32
          %dma_start3A_90 = tpu.memref_slice %arg6[%dma_start3A_88, %dma_start3A_89] : memref<10240x128xf32, #tpu.memory_space<vmem_shared>> -> memref<10240x128xf32, #tpu.memory_space<vmem_shared>>
          tpu.enqueue_indirect_dma source(%arg10 : memref<128x128xf32, #tpu.memory_space<vmem>>) target(%dma_start3A_90 : memref<10240x128xf32, #tpu.memory_space<vmem_shared>>) offsets(%dma_start3A_87 : memref<128xi32, #tpu.memory_space<vmem>>) semaphore(%run_scoped3A_84 : memref<!tpu.dma_semaphore, #tpu.memory_space<semaphore_mem>>) {add = true}
          %dma_wait3A_91 = arith.constant 0 : i32
          %dma_wait3A_92 = tpu.memref_slice %arg8[%add3A_74, %dma_wait3A_91] : memref<40x128xi32, #tpu.memory_space<vmem>> -> memref<1x128xi32, #tpu.memory_space<vmem>>
          %dma_wait3A_93 = tpu.memref_squeeze %dma_wait3A_92 : memref<1x128xi32, #tpu.memory_space<vmem>> -> memref<128xi32, #tpu.memory_space<vmem>>
          %dma_wait3A_94 = arith.constant 0 : i32
          %dma_wait3A_95 = arith.constant 0 : i32
          %dma_wait3A_96 = tpu.memref_slice %arg6[%dma_wait3A_94, %dma_wait3A_95] : memref<10240x128xf32, #tpu.memory_space<vmem_shared>> -> memref<10240x128xf32, #tpu.memory_space<vmem_shared>>
          tpu.wait_indirect_dma semaphore(%run_scoped3A_84 : memref<!tpu.dma_semaphore, #tpu.memory_space<semaphore_mem>>) src(%arg10 : memref<128x128xf32, #tpu.memory_space<vmem>>) dst(%dma_wait3A_96 : memref<10240x128xf32, #tpu.memory_space<vmem_shared>>)
          tpu.yield
        }) : () -> ()
        %add3A_75 = arith.constant 1 : i32
        %add3A_76 = arith.addi %mul3A_46, %add3A_75 : i32
        %add3A_77 = arith.constant 2 : i32
        %add3A_78 = arith.addi %add3A_76, %add3A_77 : i32
        %lt3A_79 = arith.constant 20 : i32
        %lt3A_80 = arith.cmpi slt, %add3A_78, %lt3A_79 : i32
        %convert_element_type3A_81 = arith.extui %lt3A_80 : i1 to i32
        %cond3A_82 = arith.constant 0 : i32
        %cond3A_83 = arith.cmpi ne, %convert_element_type3A_81, %cond3A_82 : i32
        scf.if %cond3A_83 {
          %add3A_84 = arith.constant 1 : i32
          %add3A_85 = arith.addi %mul3A_46, %add3A_84 : i32
          %add3A_86 = arith.constant 2 : i32
          %add3A_87 = arith.addi %add3A_85, %add3A_86 : i32
          %dma_start3A_88 = arith.constant 0 : i32
          %dma_start3A_89 = tpu.memref_slice %arg7[%add3A_87, %dma_start3A_88] : memref<40x128xi32, #tpu.memory_space<vmem>> -> memref<1x128xi32, #tpu.memory_space<vmem>>
          %dma_start3A_90 = tpu.memref_squeeze %dma_start3A_89 : memref<1x128xi32, #tpu.memory_space<vmem>> -> memref<128xi32, #tpu.memory_space<vmem>>
          %dma_start3A_91 = arith.constant 0 : i32
          %dma_start3A_92 = arith.constant 0 : i32
          %dma_start3A_93 = tpu.memref_slice %arg2[%dma_start3A_91, %dma_start3A_92] : memref<10000x128xf32, #tpu.memory_space<hbm>> -> memref<10000x128xf32, #tpu.memory_space<hbm>>
          tpu.enqueue_indirect_dma source(%dma_start3A_93 : memref<10000x128xf32, #tpu.memory_space<hbm>>) target(%arg10 : memref<128x128xf32, #tpu.memory_space<vmem>>) offsets(%dma_start3A_90 : memref<128xi32, #tpu.memory_space<vmem>>) semaphore(%arg12 : memref<!tpu.dma_semaphore, #tpu.memory_space<semaphore_mem>>)
        } else {
        }
      }
      %scan3A_43 = arith.constant 10 : i32
    } else {
    }
    "tpu.trace_stop"() : () -> ()
    "tpu.trace_start"() <{level = 10 : i32, message = "ph_bar"}> : () -> ()
    %barrier3A_17 = arith.constant 0 : index
    tpu.barrier barrier_id(%barrier3A_17)
    "tpu.trace_stop"() : () -> ()
    "tpu.trace_start"() <{level = 10 : i32, message = "ph_writeout"}> : () -> ()
    %mul3A_18 = arith.constant 640 : i32
    %mul3A_19 = arith.muli %arg1, %mul3A_18 : i32
    %mul3A_20 = arith.constant 10240 : i32
    %mul3A_21 = arith.muli %arg0, %mul3A_20 : i32
    %mul3A_22 = arith.constant 640 : i32
    %mul3A_23 = arith.muli %arg1, %mul3A_22 : i32
    %add3A_24 = arith.addi %mul3A_21, %mul3A_23 : i32
    "tpu.region"() ({
      %run_scoped3A = tpu.sem_alloc : memref<!tpu.dma_semaphore, #tpu.memory_space<semaphore_mem>>
      %dma_start3A = arith.constant 0 : i32
      %dma_start3A_25 = tpu.memref_slice %arg5[%add3A_24, %dma_start3A] : memref<20480x128xf32, #tpu.memory_space<hbm>> -> memref<640x128xf32, #tpu.memory_space<hbm>>
      %dma_start3A_26 = arith.constant 0 : i32
      %dma_start3A_27 = tpu.memref_slice %arg6[%mul3A_19, %dma_start3A_26] : memref<10240x128xf32, #tpu.memory_space<vmem_shared>> -> memref<640x128xf32, #tpu.memory_space<vmem_shared>>
      tpu.enqueue_dma source(%dma_start3A_27 : memref<640x128xf32, #tpu.memory_space<vmem_shared>>) target(%dma_start3A_25 : memref<640x128xf32, #tpu.memory_space<hbm>>) target_semaphore(%run_scoped3A : memref<!tpu.dma_semaphore, #tpu.memory_space<semaphore_mem>>)
      %dma_wait3A = arith.constant 0 : i32
      %dma_wait3A_28 = tpu.memref_slice %arg5[%add3A_24, %dma_wait3A] : memref<20480x128xf32, #tpu.memory_space<hbm>> -> memref<640x128xf32, #tpu.memory_space<hbm>>
      %dma_wait3A_29 = arith.constant 0 : i32
      %dma_wait3A_30 = tpu.memref_slice %arg6[%mul3A_19, %dma_wait3A_29] : memref<10240x128xf32, #tpu.memory_space<vmem_shared>> -> memref<640x128xf32, #tpu.memory_space<vmem_shared>>
      tpu.wait_dma2 semaphore(%run_scoped3A : memref<!tpu.dma_semaphore, #tpu.memory_space<semaphore_mem>>) src(%dma_wait3A_30 : memref<640x128xf32, #tpu.memory_space<vmem_shared>>) dst(%dma_wait3A_28 : memref<640x128xf32, #tpu.memory_space<hbm>>)
      tpu.yield
    }) : () -> ()
    "tpu.trace_stop"() : () -> ()
    return
  }
}

</mosaic_0001>

<sc_bundles>
// kernel: _sc_segment_sum.3.cloned.1.call-start
scs
__scs_entry_jumppad:
0x0: {  	(pc) =	sbr.rel $0x88, $3  }
0x1: {  	(tag) =	ssettag $0x0;
	lr =	simm.s32 $0x1  }
0x2: {  	[smem:$0x3F9E] =	sst lr;
	_ =	strace $0xD0000000  }
0x3: {  	_ = 	snop  }
0x4: {  	_ = 	snop  }
0x5: {  	_ = 	snop  }
0x6: {  	_ = 	snop  }
0x7: {  	_ = 	snop  }
__scs_overlays_trampoline_lowered:
0x8: {  	[smem:$0x3FAD] =	sst s0  }
0x9: {  	[smem:$0x3FAE] =	sst s1  }
0xa: {  	[smem:$0x3FAF] =	sst s2  }
0xb: {  	[smem:$0x3FB0] =	sst s3  }
0xc: {  	[smem:$0x3FB1] =	sst s4  }
0xd: {  	[smem:$0x3FB2] =	sst s5  }
0xe: {  	[smem:$0x3FB3] =	sst s6  }
0xf: {  	[smem:$0x3FB4] =	sst s7  }
0x10: {  	[smem:$0x3FB5] =	sst s8  }
0x11: {  	[smem:$0x3FB6] =	sst s9;
	s0 =	simm.s32 @!p0 $0x0  }
0x12: {  	s1 =	sld [smem:$0x3F9C];
	s0 =	simm.s32 @p0 $0x1  }
0x13: {  	[smem:$0x3FB7] =	sst s0;
	s0 =	simm.s32 @!p1 $0x0  }
0x14: {  	s2 =	sld [smem:$0x3F9B];
	s0 =	simm.s32 @p1 $0x1  }
0x15: {  	[smem:$0x3FB8] =	sst s0;
	s0 =	simm.s32 @!p2 $0x0  }
0x16: {  	s3 =	sld [smem:$0x3FDB];
	s0 =	simm.s32 @p2 $0x1  }
0x17: {  	s4 =	simm.s32 $0x1BF5;
	[smem:$0x3FBA] =	sst s0  }
0x18: {  	s0 =	sld [smem:$0x3F9D];
	_ =	swait.ge [sflag:s4], $0x0  }
0x19: {  	s7 =	sld [smem:$0x3F9E]  }
0x1a: {  	s8 =	sadd.s32 $0xFFFFE003, lr  }
0x1b: {  	s9 =	sadd.s32 $0xFFFFFEF7, lr;
	s5 =	simm.s32 $0xFFFFFFFF;
	p2 =	slt.u32 s8, $0xFFFFF086  }
0x1c: {  	p1 =	slt.u32 s9, $0xF7A;
	s5 =	simm.s32 @!p2 $0x0  }
0x1d: {  	s5 =	simm.s32 @p1 $0x1;
	p0 =	seq.s32 s7, s2  }
0x1e: {  	s7 =	smul.u32 @!p0 $0xF7A, s2;
	p2 =	seq.s32 @!p0 s5, $0x0  }
0x1f: {  	s9 =	smul.u32 $0xF7A, s1;
	s8 =	simm.s32 @!p0 $0x1BF5;
	p2 =	por !p2, p0  }
0x20: {  	[sflag:s8] =	ssyncset.s32 @!p0 $0xFFFFF086;
	s6 =	sadd.s32 @!p0 s3, s7;
	s7 =	simm.s32 @!p0 $0x108  }
0x21: {  	s3 =	sadd.s32 s3, s9;
	s6 =	sadd.s32 @!p0 $0x88, s6;
	s7 =	simm.s32 @p2 $0x1082  }
0x22: {  	[simem:s7], [sflag:s8] =	dma.local @!p0 [hbm:s6], $0xF7A  }
0x23: {  	s9 =	sor.u32 $0xD0000000, s2;
	s6 =	simm.s32 $0x108;
	_ =	swait.ge @!p0 [sflag:s8], $0x0  }
0x24: {  	s3 =	sadd.s32 $0x88, s3;
	s6 =	simm.s32 @!p1 $0x1082;
	[sflag:s4] =	ssyncset.s32 $0xFFFFF086  }
0x25: {  	[simem:s6], [sflag:s4] =	dma.local [hbm:s3], $0xF7A  }
0x26: {  	[smem:$0x3F9E] =	sst s1;
	(tag) =	ssettag s2;
	_ =	strace s9  }
0x27: {  	s1 =	sld [smem:$0x3FAE]  }
0x28: {  	s2 =	sld [smem:$0x3FAF]  }
0x29: {  	s4 =	sld [smem:$0x3FB1]  }
0x2a: {  	p0 =	seq.s32 s5, $0x0;
	s5 =	sld [smem:$0x3FB2]  }
0x2b: {  	s6 =	sld [smem:$0x3FB3]  }
0x2c: {  	s7 =	sld [smem:$0x3FB4]  }
0x2d: {  	s3 =	simm.s32 $0x108;
	s8 =	sld [smem:$0x3FB5]  }
0x2e: {  	s3 =	simm.s32 @!p0 $0x1082;
	s9 =	sld [smem:$0x3FB6]  }
0x2f: {  	lr =	sadd.s32 s0, s3;
	s0 =	sld [smem:$0x3FAD]  }
0x30: {  	s3 =	sld [smem:$0x3FB0]  }
0x31: {  	[smem:$0x3FB9] =	sst s10  }
0x32: {  	s10 =	sld [smem:$0x3FB7];
	_ =	sdelay $0x3  }
0x33: {  	p0 =	seq.s32 s10, $0x1;
	s10 =	sld [smem:$0x3FB9];
	_ =	sdelay $0x3  }
0x34: {  	[smem:$0x3FB9] =	sst s10  }
0x35: {  	s10 =	sld [smem:$0x3FB8];
	_ =	sdelay $0x3  }
0x36: {  	p1 =	seq.s32 s10, $0x1;
	s10 =	sld [smem:$0x3FB9];
	_ =	sdelay $0x3  }
0x37: {  	[smem:$0x3FB9] =	sst s10  }
0x38: {  	s10 =	sld [smem:$0x3FBA]  }
0x39: {  	_ = 	snop;
	(pc) =	sbr.ind lr, $3  }
0x3a: {  	_ = 	snop  }
0x3b: {  	_ = 	snop  }
0x3c: {  	p2 =	seq.s32 s10, $0x1;
	s10 =	sld [smem:$0x3FB9]  }
0x3d: {  	_ =	shalt  }
0x3e: {  	_ =	shalt  }
0x3f: {  	_ =	shalt  }
0x40: {  	_ =	shalt  }
0x41: {  	_ =	shalt  }
0x42: {  	_ =	shalt  }
0x43: {  	_ =	shalt  }
0x44: {  	_ =	shalt  }
0x45: {  	_ =	shalt  }
0x46: {  	_ =	shalt  }
0x47: {  	_ =	shalt  }
0x48: {  	_ =	shalt  }
0x49: {  	_ =	shalt  }
0x4a: {  	_ =	shalt  }
0x4b: {  	_ =	shalt  }
0x4c: {  	_ =	shalt  }
0x4d: {  	_ =	shalt  }
0x4e: {  	_ =	shalt  }
0x4f: {  	_ =	shalt  }
0x50: {  	_ =	shalt  }
0x51: {  	_ =	shalt  }
0x52: {  	_ =	shalt  }
0x53: {  	_ =	shalt  }
0x54: {  	_ =	shalt  }
0x55: {  	_ =	shalt  }
0x56: {  	_ =	shalt  }
0x57: {  	_ =	shalt  }
0x58: {  	_ =	shalt  }
0x59: {  	_ =	shalt  }
0x5a: {  	_ =	shalt  }
0x5b: {  	_ =	shalt  }
0x5c: {  	_ =	shalt  }
0x5d: {  	_ =	shalt  }
0x5e: {  	_ =	shalt  }
0x5f: {  	_ =	shalt  }
0x60: {  	_ =	shalt  }
0x61: {  	_ =	shalt  }
0x62: {  	_ =	shalt  }
0x63: {  	_ =	shalt  }
0x64: {  	_ =	shalt  }
0x65: {  	_ =	shalt  }
0x66: {  	_ =	shalt  }
0x67: {  	_ =	shalt  }
0x68: {  	_ =	shalt  }
0x69: {  	_ =	shalt  }
0x6a: {  	_ =	shalt  }
0x6b: {  	_ =	shalt  }
0x6c: {  	_ =	shalt  }
0x6d: {  	_ =	shalt  }
0x6e: {  	_ =	shalt  }
0x6f: {  	_ =	shalt  }
0x70: {  	_ =	shalt  }
0x71: {  	_ =	shalt  }
0x72: {  	_ =	shalt  }
0x73: {  	_ =	shalt  }
0x74: {  	_ =	shalt  }
0x75: {  	_ =	shalt  }
0x76: {  	_ =	shalt  }
0x77: {  	_ =	shalt  }
0x78: {  	_ =	shalt  }
0x79: {  	_ =	shalt  }
0x7a: {  	_ =	shalt  }
0x7b: {  	_ =	shalt  }
0x7c: {  	_ =	shalt  }
0x7d: {  	_ =	shalt  }
0x7e: {  	_ =	shalt  }
0x7f: {  	_ =	shalt  }
0x80: {  	_ =	shalt  }
0x81: {  	_ =	shalt  }
0x82: {  	_ =	shalt  }
0x83: {  	_ =	shalt  }
0x84: {  	_ =	shalt  }
0x85: {  	_ =	shalt  }
0x86: {  	_ =	shalt  }
0x87: {  	_ =	shalt  }
.Lfunc_end0:
.L_simem_size_0:
called_computation_lowered:
.L_overlay_start_0:
0x88: {  	s2 =	sld [smem:$0x3FD9]  }
0x89: {  	s3 =	sld [smem:$0x3FFE];
	_ =	sdelay $0x1  }
0x8a: {  	s1 =	srdreg.scid  }
0x8b: {  	s0 =	sand.u32 $0x1, s1  }
0x8c: {  	s17 =	sshll.u32 s0, $0xA;
	s2 =	sadd.s32 s3, s2  }
0x8d: {  	s2 =	sadd.s32 s2, s17  }
0x8e: {  	[smem:$0x3FC5] =	sst s2  }
0x8f: {  	_ = 	snop  }
0x90: {  	s2 =	sld [smem:$0x3FC9]  }
0x91: {  	s18 =	sld [smem:$0x3FC7]  }
0x92: {  	s4 =	sld [smem:$0x3FD0];
	(tm) =	ssettm $0x1  }
0x93: {  	s5 =	sld [smem:$0x3FFB];
	_ =	sdelay $0x3  }
0x94: {  	_ =	strace s5  }
0x95: {  	s5 =	sld [smem:$0x3FFC];
	_ =	sdelay $0x3  }
0x96: {  	_ =	strace s5  }
0x97: {  	s5 =	sld [smem:$0x3FFD];
	_ =	sdelay $0x3  }
0x98: {  	_ =	strace s5  }
0x99: {  	_ =	strace $0x8FFFFFFF  }
0x9a: {  	s19 =	sld [smem:$0x3FDB];
	_ =	sdelay $0x1  }
0x9b: {  	s6 =	simm.s32 $_scs_section_size  }
0x9c: {  	s7 =	simm.s32 $_size__tile_overlayer_lowered;
	s8 =	simm.s32 $_tile_overlayer_lowered  }
0x9d: {  	s22 =	simm.s32 $0x1BFF;
	s21 =	sshll.u32 s8, $0x1;
	s5 =	sadd.s32 s6, s19  }
0x9e: {  	s9 =	simm.s32 $0x0;
	s20 =	sshll.u32 s7, $0x1;
	s7 =	sadd.s32 s21, s5  }
0x9f: {  	[timem:s9], [sflag:s22] =	dma.local [hbm:s7], s20  }
0xa0: {  	_ =	swait.ge [sflag:s22], s20  }
0xa1: {  	s6 =	ssub.s32 $0x0, s20;
	[sflag:s22] =	ssyncset.done $0x0  }
0xa2: {  	[sflag:s22] =	ssyncadd.s32 s6;
	_ =	sdelay $0x1  }
0xa3: {  	s23 =	simm.s32 $0x1B8B  }
0xa4: {  	_ =	swait.ge [sflag:s23], $0x1  }
0xa5: {  	[sflag:s23] =	ssyncset.done $0x0  }
0xa6: {  	s25 =	simm.s32 $0x1B8E;
	s24 =	sld [smem:$0x3FFE];
	[sflag:s23] =	ssyncadd.s32 $0xFFFFFFFF  }
0xa7: {  	s26 =	simm.s32 $execute0_lowered;
	[smem:$0x3FD2] =	sst s25  }
0xa8: {  	s7 =	sshll.u32 s26, $0x1;
	_ =	strace $0x80000046;
	[dreg:$0x1] =	wrdreg $0xFFFFFFFF  }
0xa9: {  	s28 =	simm.s32 $_size_execute0_lowered;
	s5 =	sadd.s32 s5, s7;
	[dreg:$0x0] =	wrdreg $0x0  }
0xaa: {  	s7 =	sshll.u32 s28, $0x1;
	[dreg:$0x2] =	wrdreg s5  }
0xab: {  	[dreg:$0x3] =	wrdreg s7  }
0xac: {  	[dreg:$0x4] =	wrdreg $0xC0  }
0xad: {  	_ =	task [dreg:s9], $0x5FFFF  }
0xae: {  	[dreg:$0x1] =	wrdreg $0xFFFFFFFF  }
0xaf: {  	[dreg:$0x0] =	wrdreg $0x60  }
0xb0: {  	[dreg:$0x2] =	wrdreg s2  }
0xb1: {  	[dreg:$0x3] =	wrdreg s24  }
0xb2: {  	[dreg:$0x4] =	wrdreg s18  }
0xb3: {  	[dreg:$0x5] =	wrdreg s4  }
0xb4: {  	[dreg:$0x6] =	wrdreg $0x0  }
0xb5: {  	[dreg:$0x7] =	wrdreg $0x9  }
0xb6: {  	_ =	task.clear_ibuf [dreg:s9], $0x8FFFF;
	_ =	strace $0x90000046  }
0xb7: {  	s29 =	simm.s32 $0x9;
	_ =	strace $0x8000004C  }
0xb8: {  	_ =	swait.ge [sflag:s29], $0x1  }
0xb9: {  	[sflag:s29] =	ssyncadd.s32 $0xFFFFFFFF  }
0xba: {  	_ =	strace $0x9000004C  }
0xbb: {  	_ =	sfence  }
0xbc: {  	s30 =	sld [smem:$0x0];
	_ =	sdelay $0x2  }
0xbd: {  	s31 =	sshll.u32 s1, $0xD;
	s1 =	sshrl.u32 s1, $0x2  }
0xbe: {  	s3 =	sand.u32 $0x4000, s31;
	s1 =	sadd.s32 s1, s30  }
0xbf: {  	s0 =	sor.u32 s3, s0;
	s1 =	sshll.u32 s1, $0x11  }
0xc0: {  	s0 =	sor.u32 s1, s0  }
0xc1: {  	s0 =	sadd.s32 $0x8F2B, s0  }
0xc2: {  	[sflag:s0] =	ssyncadd.remote.s32 $0x1  }
0xc3: {  	_ =	sfence.sel $0xFFFF  }
0xc4: {  	[dreg:$0x0] =	wrdreg $0xFFFFFFFF;
	(pc) =	sbr.abs _section_cstart, $3  }
0xc5: {  	[dreg:$0x1] =	wrdreg $0xFFFFFFFF  }
0xc6: {  	_ =	task.clear_ibuf [dreg:s9], $0x2FFFF;
	_ =	strace $0x9FFFFFFF  }
0xc7: {  	(tm) =	ssettm $0x7FFFFFFF  }
tec
execute0_lowered:
.L_overlay_start_1:
0x0: {  	(tag) =	ssettag $0x1  }
0x1: {  	s1 =	rddreg [dreg:$0x0]  }
0x2: {  	s0 =	rddreg [dreg:$0x1]  }
0x3: {  	s2 =	rddreg [dreg:$0x2]  }
0x4: {  	s5 =	rddreg [dreg:$0x3]  }
0x5: {  	s3 =	rddreg [dreg:$0x4];
	s4 =	srdreg.scid;
	s7 =	simm.s32 $0x0  }
0x6: {  	s28 =	simm.s32 $0x1A800;
	s29 =	simm.s32 $0x1;
	s31 =	simm.s32 $0x2  }
0x7: {  	s30 =	simm.s32 $0x16780;
	s8 =	sand.u32 $0x1, s4;
	s4 =	stileid.u32  }
0x8: {  	[smem:$0x7FF] =	sst s7;
	s10 =	sadd.s32 $0x400, s0;
	s19 =	sadd.s32 $0x12C000, s3  }
0x9: {  	s20 =	sadd.s32 $0x138800, s3;
	s16 =	sadd.s32 $0xA080, s0;
	s13 =	sadd.s32 $0x9F00, s0  }
0xa: {  	s0 =	sadd.s32 $0x13B80, s0;
	s6 =	ssub.s32 $0x2, s8;
	s9 =	smul.u32 $0x50000, s4  }
0xb: {  	_ =	strace $0x80000047;
	s22 =	sshll.u32 s4, $0x1;
	s24 =	smul.u32 $0x2800, s4  }
0xc: {  	p0 =	seq.s32 s8, $0x1;
	s11 =	smul.u32 $0x28000, s8;
	[dreg:$0x6] =	wrdreg s13  }
0xd: {  	[dreg:$0x7] =	wrdreg s0;
	s0 =	simm.s32 $0x16700;
	s21 =	sshrl.u32 s6, $0x1  }
0xe: {  	p2 =	seq.s32 @!p0 s4, $0xF;
	s12 =	ssub.s32 s6, s21;
	s23 =	sshrl.u32 s9, $0x2  }
0xf: {  	s21 =	sor.u32 s8, s22;
	s7 =	sadd.s32 s1, s24;
	s8 =	sadd.s32 $0x25800, s1  }
0x10: {  	s9 =	sadd.s32 s24, s11;
	p1 =	por !p2, p0;
	p2 =	por p2, p0  }
0x11: {  	s22 =	simm.s32 $0x3;
	s24 =	simm.s32 $0x80;
	s6 =	sadd.s32 s23, s3  }
0x12: {  	s15 =	smul.u32 $0x500, s21;
	s11 =	sadd.s32 s5, s9;
	s12 =	smax.u32 s12, $0x1  }
0x13: {  	s5 =	sshll.u32 @p0 s4, $0x6;
	s19 =	sshrl.u32 @!p1 s19, $0x3;
	s20 =	sshrl.u32 @!p1 s20, $0x3  }
.Ltmp0:
0x14: {  	p3 =	seq.s32 s21, $0x1F;
	s21 =	simm.s32 $0x14000;
	(pc) =	sbr.rel .LBB2_1-.Ltmp0, $4  }
0x15: {  	s23 =	simm.s32 $0x15400;
	s17 =	sor.u32 @p0 $0x1C03, s5;
	s18 =	sshrl.u32 @p0 s6, $0x3  }
0x16: {  	s5 =	simm.s32 $0x0;
	s25 =	sadd.s32 s10, s15;
	s26 =	sadd.s32 $0x280, s15  }
0x17: {  	s14 =	sadd.s32 s15, s16;
	[dreg:$0x8] =	wrdreg s25;
	s15 =	sadd.s32 s10, s26  }
0x18: {  	s16 =	sadd.s32 s26, s16;
	s25 =	simm.s32 $0x16800;
	s26 =	simm.s32 $0x14080  }
.LBB2_7:
0x19: {  	s10 =	rddreg [dreg:$0x6]  }
0x1a: {  	[tilespmem:s21], [sflag:$0x3] =	stream.linear.gather [hbm4b:s10+s9], $0xA00, $0x200038;
	[tilespmem:$0x1E800] =	vst v63  }
0x1b: {  	_ =	swait.ge [sflag:s22], $0xA00  }
0x1c: {  	[sflag:s22] =	ssyncset.done $0x0  }
0x1d: {  	s13 =	rddreg [dreg:$0x7];
	[sflag:s22] =	ssyncadd.s32 $0xFFFFF600  }
0x1e: {  	[tilespmem:s23], [sflag:$0x3] =	stream.linear.gather [hbm4b:s13+s9], $0xA00, $0x200038;
	[tilespmem:$0x1E800] =	vst v63  }
0x1f: {  	_ =	swait.ge [sflag:s22], $0xA00  }
0x20: {  	[sflag:s22] =	ssyncset.done $0x0  }
0x21: {  	[sflag:s22] =	ssyncadd.s32 $0xFFFFF600  }
0x22: {  	[tilespmem:s25], [sflag:$0x1] =	stream.indirect.gather [hbm4b:s1+s24], $0x80, s21, s24, $0x2000b8;
	[tilespmem:$0x1E800] =	vst v63  }
0x23: {  	_ = 	snop  }
0x24: {  	[tilespmem:s28], [sflag:$0x2] =	stream.indirect.gather [hbm4b:s1+s24], $0x80, s26, s24, $0x2000b8;
	[tilespmem:$0x1E800] =	vst v63  }
0x25: {  	_ =	swait.ge [sflag:s29], $0x4000  }
0x26: {  	[sflag:s29] =	ssyncset.done $0x0  }
0x27: {  	[sflag:s29] =	ssyncadd.s32 $0xFFFFC000  }
0x28: {  	[spmem:s3] =	stream.indirect.scatter.add.f32 [tilespmem:s25], [sflag:$0x3], $0x80, s23, s24, $0x2000b8;
	[tilespmem:$0x1E800] =	vst v63  }
0x29: {  	_ =	swait.ge [sflag:s22], $0x4000  }
0x2a: {  	[sflag:s22] =	ssyncset.done $0x0  }
0x2b: {  	s13 =	simm.s32 $0x14100;
	[sflag:s22] =	ssyncadd.s32 $0xFFFFC000  }
0x2c: {  	[tilespmem:s25], [sflag:$0x1] =	stream.indirect.gather [hbm4b:s1+s24], $0x80, s13, s24, $0x2000b8;
	[tilespmem:$0x1E800] =	vst v63  }
0x2d: {  	_ =	swait.ge [sflag:s31], $0x4000  }
0x2e: {  	[sflag:s31] =	ssyncset.done $0x0  }
0x2f: {  	s10 =	simm.s32 $0x15480;
	[sflag:s31] =	ssyncadd.s32 $0xFFFFC000  }
0x30: {  	[spmem:s3] =	stream.indirect.scatter.add.f32 [tilespmem:s28], [sflag:$0x3], $0x80, s10, s24, $0x2000b8;
	[tilespmem:$0x1E800] =	vst v63  }
0x31: {  	_ =	swait.ge [sflag:s22], $0x4000  }
0x32: {  	[sflag:s22] =	ssyncset.done $0x0  }
0x33: {  	s13 =	simm.s32 $0x14180;
	[sflag:s22] =	ssyncadd.s32 $0xFFFFC000  }
0x34: {  	[tilespmem:s28], [sflag:$0x2] =	stream.indirect.gather [hbm4b:s1+s24], $0x80, s13, s24, $0x2000b8;
	[tilespmem:$0x1E800] =	vst v63  }
0x35: {  	_ =	swait.ge [sflag:s29], $0x4000  }
0x36: {  	[sflag:s29] =	ssyncset.done $0x0  }
0x37: {  	s10 =	simm.s32 $0x15500;
	[sflag:s29] =	ssyncadd.s32 $0xFFFFC000  }
0x38: {  	[spmem:s3] =	stream.indirect.scatter.add.f32 [tilespmem:s25], [sflag:$0x3], $0x80, s10, s24, $0x2000b8;
	[tilespmem:$0x1E800] =	vst v63  }
0x39: {  	_ =	swait.ge [sflag:s22], $0x4000  }
0x3a: {  	[sflag:s22] =	ssyncset.done $0x0  }
0x3b: {  	s13 =	simm.s32 $0x14200;
	[sflag:s22] =	ssyncadd.s32 $0xFFFFC000  }
0x3c: {  	[tilespmem:s25], [sflag:$0x1] =	stream.indirect.gather [hbm4b:s1+s24], $0x80, s13, s24, $0x2000b8;
	[tilespmem:$0x1E800] =	vst v63  }
0x3d: {  	_ =	swait.ge [sflag:s31], $0x4000  }
0x3e: {  	[sflag:s31] =	ssyncset.done $0x0  }
0x3f: {  	s10 =	simm.s32 $0x15580;
	[sflag:s31] =	ssyncadd.s32 $0xFFFFC000  }
0x40: {  	[spmem:s3] =	stream.indirect.scatter.add.f32 [tilespmem:s28], [sflag:$0x3], $0x80, s10, s24, $0x2000b8;
	[tilespmem:$0x1E800] =	vst v63  }
0x41: {  	_ =	swait.ge [sflag:s22], $0x4000  }
0x42: {  	[sflag:s22] =	ssyncset.done $0x0  }
0x43: {  	s13 =	simm.s32 $0x14280;
	[sflag:s22] =	ssyncadd.s32 $0xFFFFC000  }
0x44: {  	[tilespmem:s28], [sflag:$0x2] =	stream.indirect.gather [hbm4b:s1+s24], $0x80, s13, s24, $0x2000b8;
	[tilespmem:$0x1E800] =	vst v63  }
0x45: {  	_ =	swait.ge [sflag:s29], $0x4000  }
0x46: {  	[sflag:s29] =	ssyncset.done $0x0  }
0x47: {  	s10 =	simm.s32 $0x15600;
	[sflag:s29] =	ssyncadd.s32 $0xFFFFC000  }
0x48: {  	[spmem:s3] =	stream.indirect.scatter.add.f32 [tilespmem:s25], [sflag:$0x3], $0x80, s10, s24, $0x2000b8;
	[tilespmem:$0x1E800] =	vst v63  }
0x49: {  	_ =	swait.ge [sflag:s22], $0x4000  }
0x4a: {  	[sflag:s22] =	ssyncset.done $0x0  }
0x4b: {  	s13 =	simm.s32 $0x14300;
	[sflag:s22] =	ssyncadd.s32 $0xFFFFC000  }
0x4c: {  	[tilespmem:s25], [sflag:$0x1] =	stream.indirect.gather [hbm4b:s1+s24], $0x80, s13, s24, $0x2000b8;
	[tilespmem:$0x1E800] =	vst v63  }
0x4d: {  	_ =	swait.ge [sflag:s31], $0x4000  }
0x4e: {  	[sflag:s31] =	ssyncset.done $0x0  }
0x4f: {  	s10 =	simm.s32 $0x15680;
	[sflag:s31] =	ssyncadd.s32 $0xFFFFC000  }
0x50: {  	[spmem:s3] =	stream.indirect.scatter.add.f32 [tilespmem:s28], [sflag:$0x3], $0x80, s10, s24, $0x2000b8;
	[tilespmem:$0x1E800] =	vst v63  }
0x51: {  	_ =	swait.ge [sflag:s22], $0x4000  }
0x52: {  	[sflag:s22] =	ssyncset.done $0x0  }
0x53: {  	s13 =	simm.s32 $0x14380;
	[sflag:s22] =	ssyncadd.s32 $0xFFFFC000  }
0x54: {  	[tilespmem:s28], [sflag:$0x2] =	stream.indirect.gather [hbm4b:s1+s24], $0x80, s13, s24, $0x2000b8;
	[tilespmem:$0x1E800] =	vst v63  }
0x55: {  	_ =	swait.ge [sflag:s29], $0x4000  }
0x56: {  	[sflag:s29] =	ssyncset.done $0x0  }
0x57: {  	s10 =	simm.s32 $0x15700;
	[sflag:s29] =	ssyncadd.s32 $0xFFFFC000  }
0x58: {  	[spmem:s3] =	stream.indirect.scatter.add.f32 [tilespmem:s25], [sflag:$0x3], $0x80, s10, s24, $0x2000b8;
	[tilespmem:$0x1E800] =	vst v63  }
0x59: {  	_ =	swait.ge [sflag:s22], $0x4000  }
0x5a: {  	[sflag:s22] =	ssyncset.done $0x0  }
0x5b: {  	s13 =	simm.s32 $0x14400;
	[sflag:s22] =	ssyncadd.s32 $0xFFFFC000  }
0x5c: {  	[tilespmem:s25], [sflag:$0x1] =	stream.indirect.gather [hbm4b:s1+s24], $0x80, s13, s24, $0x2000b8;
	[tilespmem:$0x1E800] =	vst v63  }
0x5d: {  	_ =	swait.ge [sflag:s31], $0x4000  }
0x5e: {  	[sflag:s31] =	ssyncset.done $0x0  }
0x5f: {  	s10 =	simm.s32 $0x15780;
	[sflag:s31] =	ssyncadd.s32 $0xFFFFC000  }
0x60: {  	[spmem:s3] =	stream.indirect.scatter.add.f32 [tilespmem:s28], [sflag:$0x3], $0x80, s10, s24, $0x2000b8;
	[tilespmem:$0x1E800] =	vst v63  }
0x61: {  	_ =	swait.ge [sflag:s22], $0x4000  }
0x62: {  	[sflag:s22] =	ssyncset.done $0x0  }
0x63: {  	s13 =	simm.s32 $0x14480;
	[sflag:s22] =	ssyncadd.s32 $0xFFFFC000  }
0x64: {  	[tilespmem:s28], [sflag:$0x2] =	stream.indirect.gather [hbm4b:s1+s24], $0x80, s13, s24, $0x2000b8;
	[tilespmem:$0x1E800] =	vst v63  }
0x65: {  	_ =	swait.ge [sflag:s29], $0x4000  }
0x66: {  	[sflag:s29] =	ssyncset.done $0x0  }
0x67: {  	s10 =	simm.s32 $0x15800;
	[sflag:s29] =	ssyncadd.s32 $0xFFFFC000  }
0x68: {  	[spmem:s3] =	stream.indirect.scatter.add.f32 [tilespmem:s25], [sflag:$0x3], $0x80, s10, s24, $0x2000b8;
	[tilespmem:$0x1E800] =	vst v63  }
0x69: {  	_ =	swait.ge [sflag:s22], $0x4000  }
0x6a: {  	[sflag:s22] =	ssyncset.done $0x0  }
0x6b: {  	s13 =	simm.s32 $0x14500;
	[sflag:s22] =	ssyncadd.s32 $0xFFFFC000  }
0x6c: {  	[tilespmem:s25], [sflag:$0x1] =	stream.indirect.gather [hbm4b:s1+s24], $0x80, s13, s24, $0x2000b8;
	[tilespmem:$0x1E800] =	vst v63  }
0x6d: {  	_ =	swait.ge [sflag:s31], $0x4000  }
0x6e: {  	[sflag:s31] =	ssyncset.done $0x0  }
0x6f: {  	s10 =	simm.s32 $0x15880;
	[sflag:s31] =	ssyncadd.s32 $0xFFFFC000  }
0x70: {  	[spmem:s3] =	stream.indirect.scatter.add.f32 [tilespmem:s28], [sflag:$0x3], $0x80, s10, s24, $0x2000b8;
	[tilespmem:$0x1E800] =	vst v63  }
0x71: {  	_ =	swait.ge [sflag:s22], $0x4000  }
0x72: {  	[sflag:s22] =	ssyncset.done $0x0  }
0x73: {  	s13 =	simm.s32 $0x14580;
	[sflag:s22] =	ssyncadd.s32 $0xFFFFC000  }
0x74: {  	[tilespmem:s28], [sflag:$0x2] =	stream.indirect.gather [hbm4b:s1+s24], $0x80, s13, s24, $0x2000b8;
	[tilespmem:$0x1E800] =	vst v63  }
0x75: {  	_ =	swait.ge [sflag:s29], $0x4000  }
0x76: {  	[sflag:s29] =	ssyncset.done $0x0  }
0x77: {  	s10 =	simm.s32 $0x15900;
	[sflag:s29] =	ssyncadd.s32 $0xFFFFC000  }
0x78: {  	[spmem:s3] =	stream.indirect.scatter.add.f32 [tilespmem:s25], [sflag:$0x3], $0x80, s10, s24, $0x2000b8;
	[tilespmem:$0x1E800] =	vst v63  }
0x79: {  	_ =	swait.ge [sflag:s22], $0x4000  }
0x7a: {  	[sflag:s22] =	ssyncset.done $0x0  }
0x7b: {  	s13 =	simm.s32 $0x14600;
	[sflag:s22] =	ssyncadd.s32 $0xFFFFC000  }
0x7c: {  	[tilespmem:s25], [sflag:$0x1] =	stream.indirect.gather [hbm4b:s1+s24], $0x80, s13, s24, $0x2000b8;
	[tilespmem:$0x1E800] =	vst v63  }
0x7d: {  	_ =	swait.ge [sflag:s31], $0x4000  }
0x7e: {  	[sflag:s31] =	ssyncset.done $0x0  }
0x7f: {  	s10 =	simm.s32 $0x15980;
	[sflag:s31] =	ssyncadd.s32 $0xFFFFC000  }
0x80: {  	[spmem:s3] =	stream.indirect.scatter.add.f32 [tilespmem:s28], [sflag:$0x3], $0x80, s10, s24, $0x2000b8;
	[tilespmem:$0x1E800] =	vst v63  }
0x81: {  	_ =	swait.ge [sflag:s22], $0x4000  }
0x82: {  	[sflag:s22] =	ssyncset.done $0x0  }
0x83: {  	s13 =	simm.s32 $0x14680;
	[sflag:s22] =	ssyncadd.s32 $0xFFFFC000  }
0x84: {  	[tilespmem:s28], [sflag:$0x2] =	stream.indirect.gather [hbm4b:s1+s24], $0x80, s13, s24, $0x2000b8;
	[tilespmem:$0x1E800] =	vst v63  }
0x85: {  	_ =	swait.ge [sflag:s29], $0x4000  }
0x86: {  	[sflag:s29] =	ssyncset.done $0x0  }
0x87: {  	s10 =	simm.s32 $0x15A00;
	[sflag:s29] =	ssyncadd.s32 $0xFFFFC000  }
0x88: {  	[spmem:s3] =	stream.indirect.scatter.add.f32 [tilespmem:s25], [sflag:$0x3], $0x80, s10, s24, $0x2000b8;
	[tilespmem:$0x1E800] =	vst v63  }
0x89: {  	_ =	swait.ge [sflag:s22], $0x4000  }
0x8a: {  	[sflag:s22] =	ssyncset.done $0x0  }
0x8b: {  	s13 =	simm.s32 $0x14700;
	[sflag:s22] =	ssyncadd.s32 $0xFFFFC000  }
0x8c: {  	[tilespmem:s25], [sflag:$0x1] =	stream.indirect.gather [hbm4b:s1+s24], $0x80, s13, s24, $0x2000b8;
	[tilespmem:$0x1E800] =	vst v63  }
0x8d: {  	_ =	swait.ge [sflag:s31], $0x4000  }
0x8e: {  	[sflag:s31] =	ssyncset.done $0x0  }
0x8f: {  	s10 =	simm.s32 $0x15A80;
	[sflag:s31] =	ssyncadd.s32 $0xFFFFC000  }
0x90: {  	[spmem:s3] =	stream.indirect.scatter.add.f32 [tilespmem:s28], [sflag:$0x3], $0x80, s10, s24, $0x2000b8;
	[tilespmem:$0x1E800] =	vst v63  }
0x91: {  	_ =	swait.ge [sflag:s22], $0x4000  }
0x92: {  	[sflag:s22] =	ssyncset.done $0x0  }
0x93: {  	s13 =	simm.s32 $0x14780;
	[sflag:s22] =	ssyncadd.s32 $0xFFFFC000  }
0x94: {  	[tilespmem:s28], [sflag:$0x2] =	stream.indirect.gather [hbm4b:s1+s24], $0x80, s13, s24, $0x2000b8;
	[tilespmem:$0x1E800] =	vst v63  }
0x95: {  	_ =	swait.ge [sflag:s29], $0x4000  }
0x96: {  	[sflag:s29] =	ssyncset.done $0x0  }
0x97: {  	s10 =	simm.s32 $0x15B00;
	[sflag:s29] =	ssyncadd.s32 $0xFFFFC000  }
0x98: {  	[spmem:s3] =	stream.indirect.scatter.add.f32 [tilespmem:s25], [sflag:$0x3], $0x80, s10, s24, $0x2000b8;
	[tilespmem:$0x1E800] =	vst v63  }
0x99: {  	_ =	swait.ge [sflag:s22], $0x4000  }
0x9a: {  	[sflag:s22] =	ssyncset.done $0x0  }
0x9b: {  	s13 =	simm.s32 $0x14800;
	[sflag:s22] =	ssyncadd.s32 $0xFFFFC000  }
0x9c: {  	[tilespmem:s25], [sflag:$0x1] =	stream.indirect.gather [hbm4b:s1+s24], $0x80, s13, s24, $0x2000b8;
	[tilespmem:$0x1E800] =	vst v63  }
0x9d: {  	_ =	swait.ge [sflag:s31], $0x4000  }
0x9e: {  	[sflag:s31] =	ssyncset.done $0x0  }
0x9f: {  	s10 =	simm.s32 $0x15B80;
	[sflag:s31] =	ssyncadd.s32 $0xFFFFC000  }
0xa0: {  	[spmem:s3] =	stream.indirect.scatter.add.f32 [tilespmem:s28], [sflag:$0x3], $0x80, s10, s24, $0x2000b8;
	[tilespmem:$0x1E800] =	vst v63  }
0xa1: {  	_ =	swait.ge [sflag:s22], $0x4000  }
0xa2: {  	[sflag:s22] =	ssyncset.done $0x0  }
0xa3: {  	s13 =	simm.s32 $0x14880;
	[sflag:s22] =	ssyncadd.s32 $0xFFFFC000  }
0xa4: {  	[tilespmem:s28], [sflag:$0x2] =	stream.indirect.gather [hbm4b:s1+s24], $0x80, s13, s24, $0x2000b8;
	[tilespmem:$0x1E800] =	vst v63  }
0xa5: {  	_ =	swait.ge [sflag:s29], $0x4000  }
0xa6: {  	[sflag:s29] =	ssyncset.done $0x0  }
0xa7: {  	s10 =	simm.s32 $0x15C00;
	[sflag:s29] =	ssyncadd.s32 $0xFFFFC000  }
0xa8: {  	[spmem:s3] =	stream.indirect.scatter.add.f32 [tilespmem:s25], [sflag:$0x3], $0x80, s10, s24, $0x2000b8;
	[tilespmem:$0x1E800] =	vst v63  }
0xa9: {  	_ =	swait.ge [sflag:s22], $0x4000  }
0xaa: {  	[sflag:s22] =	ssyncset.done $0x0  }
0xab: {  	s13 =	simm.s32 $0x14900;
	[sflag:s22] =	ssyncadd.s32 $0xFFFFC000  }
0xac: {  	[tilespmem:s25], [sflag:$0x1] =	stream.indirect.gather [hbm4b:s1+s24], $0x80, s13, s24, $0x2000b8;
	[tilespmem:$0x1E800] =	vst v63  }
0xad: {  	_ =	swait.ge [sflag:s31], $0x4000  }
0xae: {  	[sflag:s31] =	ssyncset.done $0x0  }
0xaf: {  	s10 =	simm.s32 $0x15C80;
	[sflag:s31] =	ssyncadd.s32 $0xFFFFC000  }
0xb0: {  	[spmem:s3] =	stream.indirect.scatter.add.f32 [tilespmem:s28], [sflag:$0x3], $0x80, s10, s24, $0x2000b8;
	[tilespmem:$0x1E800] =	vst v63  }
0xb1: {  	_ =	swait.ge [sflag:s22], $0x4000  }
0xb2: {  	[sflag:s22] =	ssyncset.done $0x0  }
0xb3: {  	s13 =	simm.s32 $0x14980;
	[sflag:s22] =	ssyncadd.s32 $0xFFFFC000  }
0xb4: {  	[tilespmem:s28], [sflag:$0x2] =	stream.indirect.gather [hbm4b:s1+s24], $0x80, s13, s24, $0x2000b8;
	[tilespmem:$0x1E800] =	vst v63  }
0xb5: {  	_ =	swait.ge [sflag:s29], $0x4000  }
0xb6: {  	[sflag:s29] =	ssyncset.done $0x0  }
0xb7: {  	s10 =	simm.s32 $0x15D00;
	[sflag:s29] =	ssyncadd.s32 $0xFFFFC000  }
0xb8: {  	[spmem:s3] =	stream.indirect.scatter.add.f32 [tilespmem:s25], [sflag:$0x3], $0x80, s10, s24, $0x2000b8;
	[tilespmem:$0x1E800] =	vst v63  }
0xb9: {  	_ =	swait.ge [sflag:s22], $0x4000  }
0xba: {  	[sflag:s22] =	ssyncset.done $0x0  }
0xbb: {  	[sflag:s22] =	ssyncadd.s32 $0xFFFFC000  }
0xbc: {  	_ =	swait.ge [sflag:s31], $0x4000  }
0xbd: {  	[sflag:s31] =	ssyncset.done $0x0  }
0xbe: {  	s13 =	simm.s32 $0x15D80;
	[sflag:s31] =	ssyncadd.s32 $0xFFFFC000  }
0xbf: {  	[spmem:s3] =	stream.indirect.scatter.add.f32 [tilespmem:s28], [sflag:$0x3], $0x80, s13, s24, $0x2000b8;
	[tilespmem:$0x1E800] =	vst v63  }
0xc0: {  	_ =	swait.ge [sflag:s22], $0x4000  }
0xc1: {  	[sflag:s22] =	ssyncset.done $0x0  }
0xc2: {  	[sflag:s22] =	ssyncadd.s32 $0xFFFFC000  }
.LBB2_8:
0xc3: {  	_ =	strace $0x90000049  }
0xc4: {  	_ =	strace $0x8000004A  }
0xc5: {  	s9 =	sshll.u32 s4, $0x6;
	[bflag:$0x0] =	sbarrier.arrive $0xFFFF  }
0xc6: {  	s10 =	sshrl.u32 s6, $0x3;
	s5 =	sadd.s32 $0x1, s5;
	_ =	strace $0x9000004A  }
0xc7: {  	s9 =	sor.u32 $0x1C03, s9;
	p4 =	sne.s32 s5, s12;
	_ =	strace $0x8000004B  }
0xc8: {  	[hbm:s11], [sflag:s9] =	dma.local [spmem:s10], $0x2800  }
.Ltmp1:
0xc9: {  	_ = 	snop;
	(pc) =	sbr.rel @!p4 .LBB2_9-.Ltmp1, $4  }
0xca: {  	_ =	swait.ge [sflag:s22], $0x2800  }
0xcb: {  	[sflag:s22] =	ssyncset.done $0x0  }
0xcc: {  	[sflag:s22] =	ssyncadd.s32 $0xFFFFD800  }
0xcd: {  	_ =	strace $0x9000004B  }
.LBB2_1:
0xce: {  	_ =	strace $0x80000048;
	s9 =	simm.s32 @p0 $0x3  }
0xcf: {  	[spmem:s18], [sflag:s17] =	dma.local @p0 [hbm:s2], $0x2800  }
0xd0: {  	_ =	swait.ge @p0 [sflag:s9], $0x2800  }
0xd1: {  	[sflag:s9] =	ssyncset.done @p0 $0x0  }
0xd2: {  	s10 =	simm.s32 @!p1 $0x3;
	[sflag:s9] =	ssyncadd.s32 @p0 $0xFFFFD800;
	s9 =	simm.s32 @!p1 $0x1FC3  }
0xd3: {  	[spmem:s19], [sflag:s9] =	dma.local @!p1 [hbm:s8], $0x1900  }
0xd4: {  	_ =	swait.ge @!p1 [sflag:s10], $0x1900  }
0xd5: {  	[sflag:s10] =	ssyncset.done @!p1 $0x0  }
0xd6: {  	[sflag:s10] =	ssyncadd.s32 @!p1 $0xFFFFE700  }
0xd7: {  	[spmem:s20], [sflag:s9] =	dma.local @!p1 [hbm:s2], $0xF00  }
0xd8: {  	_ =	swait.ge @!p1 [sflag:s10], $0xF00  }
0xd9: {  	s9 =	sshll.u32 @!p2 s4, $0x6;
	[sflag:s10] =	ssyncset.done @!p1 $0x0  }
0xda: {  	s9 =	sor.u32 @!p2 $0x1C03, s9;
	[sflag:s10] =	ssyncadd.s32 @!p1 $0xFFFFF100;
	s10 =	sshrl.u32 @!p2 s6, $0x3  }
0xdb: {  	[spmem:s10], [sflag:s9] =	dma.local @!p2 [hbm:s7], $0x2800  }
0xdc: {  	s9 =	simm.s32 @!p2 $0x3  }
0xdd: {  	_ =	swait.ge @!p2 [sflag:s9], $0x2800  }
.Ltmp2:
0xde: {  	[sflag:s9] =	ssyncset.done @!p2 $0x0;
	(pc) =	sbr.rel @p3 .LBB2_7-.Ltmp2, $4  }
0xdf: {  	[sflag:s9] =	ssyncadd.s32 @!p2 $0xFFFFD800  }
0xe0: {  	_ =	strace $0x90000048  }
0xe1: {  	[bflag:$0x0] =	sbarrier.arrive $0xFFFF  }
0xe2: {  	s9 =	simm.s32 $0x0;
	_ =	strace $0x80000049  }
0xe3: {  	s10 =	rddreg [dreg:$0x8]  }
0xe4: {  	[tilespmem:s21], [sflag:$0x3] =	stream.linear.gather [hbm4b:s10+s9], $0x1400, $0x200038;
	[tilespmem:$0x1E800] =	vst v63  }
0xe5: {  	_ =	swait.ge [sflag:s22], $0x1400  }
0xe6: {  	[sflag:s22] =	ssyncset.done $0x0  }
0xe7: {  	[sflag:s22] =	ssyncadd.s32 $0xFFFFEC00  }
0xe8: {  	[tilespmem:s23], [sflag:$0x3] =	stream.linear.gather [hbm4b:s14+s9], $0x1400, $0x200038;
	[tilespmem:$0x1E800] =	vst v63  }
0xe9: {  	_ =	swait.ge [sflag:s22], $0x1400  }
0xea: {  	[sflag:s22] =	ssyncset.done $0x0  }
0xeb: {  	[sflag:s22] =	ssyncadd.s32 $0xFFFFEC00  }
0xec: {  	[tilespmem:s25], [sflag:$0x1] =	stream.indirect.gather [hbm4b:s1+s24], $0x80, s21, s24, $0x2000b8;
	[tilespmem:$0x1E800] =	vst v63  }
0xed: {  	_ = 	snop  }
0xee: {  	[tilespmem:s28], [sflag:$0x2] =	stream.indirect.gather [hbm4b:s1+s24], $0x80, s26, s24, $0x2000b8;
	[tilespmem:$0x1E800] =	vst v63  }
0xef: {  	_ =	swait.ge [sflag:s29], $0x4000  }
0xf0: {  	[sflag:s29] =	ssyncset.done $0x0  }
0xf1: {  	s13 =	simm.s32 $0x15400;
	[sflag:s29] =	ssyncadd.s32 $0xFFFFC000  }
0xf2: {  	[spmem:s3] =	stream.indirect.scatter.add.f32 [tilespmem:s25], [sflag:$0x3], $0x80, s13, s24, $0x2000b8;
	[tilespmem:$0x1E800] =	vst v63  }
0xf3: {  	_ =	swait.ge [sflag:s22], $0x4000  }
0xf4: {  	[sflag:s22] =	ssyncset.done $0x0  }
0xf5: {  	s10 =	simm.s32 $0x14100;
	[sflag:s22] =	ssyncadd.s32 $0xFFFFC000  }
0xf6: {  	[tilespmem:s25], [sflag:$0x1] =	stream.indirect.gather [hbm4b:s1+s24], $0x80, s10, s24, $0x2000b8;
	[tilespmem:$0x1E800] =	vst v63  }
0xf7: {  	_ =	swait.ge [sflag:s31], $0x4000  }
0xf8: {  	[sflag:s31] =	ssyncset.done $0x0  }
0xf9: {  	s13 =	simm.s32 $0x15480;
	[sflag:s31] =	ssyncadd.s32 $0xFFFFC000  }
0xfa: {  	[spmem:s3] =	stream.indirect.scatter.add.f32 [tilespmem:s28], [sflag:$0x3], $0x80, s13, s24, $0x2000b8;
	[tilespmem:$0x1E800] =	vst v63  }
0xfb: {  	_ =	swait.ge [sflag:s22], $0x4000  }
0xfc: {  	[sflag:s22] =	ssyncset.done $0x0  }
0xfd: {  	s9 =	simm.s32 $0x400;
	s10 =	simm.s32 $0x14180;
	[sflag:s22] =	ssyncadd.s32 $0xFFFFC000  }
.LBB2_3:
0xfe: {  	[tilespmem:s28], [sflag:$0x2] =	stream.indirect.gather [hbm4b:s1+s24], $0x80, s10, s24, $0x2000b8;
	[tilespmem:$0x1E800] =	vst v63  }
0xff: {  	s10 =	smov.u32 s9  }
0x100: {  	p4 =	sne.s32 s9, $0x4800;
	s9 =	sadd.s32 $0x400, s9;
	_ =	swait.ge [sflag:s29], $0x4000  }
0x101: {  	s10 =	sshra.s32 s10, $0x2;
	[sflag:s29] =	ssyncset.done $0x0  }
0x102: {  	s13 =	sadd.s32 $0x15400, s10;
	[sflag:s29] =	ssyncadd.s32 $0xFFFFC000  }
0x103: {  	[spmem:s3] =	stream.indirect.scatter.add.f32 [tilespmem:s25], [sflag:$0x3], $0x80, s13, s24, $0x2000b8;
	[tilespmem:$0x1E800] =	vst v63  }
0x104: {  	_ =	swait.ge [sflag:s22], $0x4000  }
0x105: {  	[sflag:s22] =	ssyncset.done $0x0  }
0x106: {  	s13 =	sadd.s32 $0x14100, s10;
	[sflag:s22] =	ssyncadd.s32 $0xFFFFC000  }
0x107: {  	[tilespmem:s25], [sflag:$0x1] =	stream.indirect.gather [hbm4b:s1+s24], $0x80, s13, s24, $0x2000b8;
	[tilespmem:$0x1E800] =	vst v63  }
0x108: {  	_ =	swait.ge [sflag:s31], $0x4000  }
0x109: {  	[sflag:s31] =	ssyncset.done $0x0  }
.Ltmp3:
0x10a: {  	s13 =	sadd.s32 $0x15480, s10;
	[sflag:s31] =	ssyncadd.s32 $0xFFFFC000;
	(pc) =	sbr.rel @p4 .LBB2_3-.Ltmp3, $4  }
0x10b: {  	[spmem:s3] =	stream.indirect.scatter.add.f32 [tilespmem:s28], [sflag:$0x3], $0x80, s13, s24, $0x2000b8;
	[tilespmem:$0x1E800] =	vst v63  }
0x10c: {  	_ =	swait.ge [sflag:s22], $0x4000  }
0x10d: {  	[sflag:s22] =	ssyncset.done $0x0  }
0x10e: {  	s10 =	sadd.s32 $0x14180, s10;
	[sflag:s22] =	ssyncadd.s32 $0xFFFFC000  }
0x10f: {  	[tilespmem:s28], [sflag:$0x2] =	stream.indirect.gather [hbm4b:s1+s24], $0x80, s10, s24, $0x2000b8;
	[tilespmem:$0x1E800] =	vst v63  }
0x110: {  	_ =	swait.ge [sflag:s29], $0x4000  }
0x111: {  	[sflag:s29] =	ssyncset.done $0x0  }
0x112: {  	[sflag:s29] =	ssyncadd.s32 $0xFFFFC000  }
0x113: {  	[spmem:s3] =	stream.indirect.scatter.add.f32 [tilespmem:s25], [sflag:$0x3], $0x80, s0, s24, $0x2000b8;
	[tilespmem:$0x1E800] =	vst v63  }
0x114: {  	_ =	swait.ge [sflag:s22], $0x4000  }
0x115: {  	[sflag:s22] =	ssyncset.done $0x0  }
0x116: {  	[sflag:s22] =	ssyncadd.s32 $0xFFFFC000  }
0x117: {  	_ =	swait.ge [sflag:s31], $0x4000  }
0x118: {  	[sflag:s31] =	ssyncset.done $0x0  }
0x119: {  	[sflag:s31] =	ssyncadd.s32 $0xFFFFC000  }
0x11a: {  	[spmem:s3] =	stream.indirect.scatter.add.f32 [tilespmem:s28], [sflag:$0x3], $0x80, s30, s24, $0x2000b8;
	[tilespmem:$0x1E800] =	vst v63  }
0x11b: {  	_ =	swait.ge [sflag:s22], $0x4000  }
0x11c: {  	[sflag:s22] =	ssyncset.done $0x0  }
0x11d: {  	s9 =	simm.s32 $0x0;
	[sflag:s22] =	ssyncadd.s32 $0xFFFFC000  }
0x11e: {  	[tilespmem:s21], [sflag:$0x3] =	stream.linear.gather [hbm4b:s15+s9], $0x1400, $0x200038;
	[tilespmem:$0x1E800] =	vst v63  }
0x11f: {  	_ =	swait.ge [sflag:s22], $0x1400  }
0x120: {  	[sflag:s22] =	ssyncset.done $0x0  }
0x121: {  	[sflag:s22] =	ssyncadd.s32 $0xFFFFEC00  }
0x122: {  	[tilespmem:s23], [sflag:$0x3] =	stream.linear.gather [hbm4b:s16+s9], $0x1400, $0x200038;
	[tilespmem:$0x1E800] =	vst v63  }
0x123: {  	_ =	swait.ge [sflag:s22], $0x1400  }
0x124: {  	[sflag:s22] =	ssyncset.done $0x0  }
0x125: {  	[sflag:s22] =	ssyncadd.s32 $0xFFFFEC00  }
0x126: {  	[tilespmem:s25], [sflag:$0x1] =	stream.indirect.gather [hbm4b:s1+s24], $0x80, s21, s24, $0x2000b8;
	[tilespmem:$0x1E800] =	vst v63  }
0x127: {  	_ = 	snop  }
0x128: {  	[tilespmem:s28], [sflag:$0x2] =	stream.indirect.gather [hbm4b:s1+s24], $0x80, s26, s24, $0x2000b8;
	[tilespmem:$0x1E800] =	vst v63  }
0x129: {  	_ =	swait.ge [sflag:s29], $0x4000  }
0x12a: {  	[sflag:s29] =	ssyncset.done $0x0  }
0x12b: {  	s13 =	simm.s32 $0x15400;
	[sflag:s29] =	ssyncadd.s32 $0xFFFFC000  }
0x12c: {  	[spmem:s3] =	stream.indirect.scatter.add.f32 [tilespmem:s25], [sflag:$0x3], $0x80, s13, s24, $0x2000b8;
	[tilespmem:$0x1E800] =	vst v63  }
0x12d: {  	_ =	swait.ge [sflag:s22], $0x4000  }
0x12e: {  	[sflag:s22] =	ssyncset.done $0x0  }
0x12f: {  	s10 =	simm.s32 $0x14100;
	[sflag:s22] =	ssyncadd.s32 $0xFFFFC000  }
0x130: {  	[tilespmem:s25], [sflag:$0x1] =	stream.indirect.gather [hbm4b:s1+s24], $0x80, s10, s24, $0x2000b8;
	[tilespmem:$0x1E800] =	vst v63  }
0x131: {  	_ =	swait.ge [sflag:s31], $0x4000  }
0x132: {  	[sflag:s31] =	ssyncset.done $0x0  }
0x133: {  	s13 =	simm.s32 $0x15480;
	[sflag:s31] =	ssyncadd.s32 $0xFFFFC000  }
0x134: {  	[spmem:s3] =	stream.indirect.scatter.add.f32 [tilespmem:s28], [sflag:$0x3], $0x80, s13, s24, $0x2000b8;
	[tilespmem:$0x1E800] =	vst v63  }
0x135: {  	_ =	swait.ge [sflag:s22], $0x4000  }
0x136: {  	[sflag:s22] =	ssyncset.done $0x0  }
0x137: {  	s9 =	simm.s32 $0x400;
	s10 =	simm.s32 $0x14180;
	[sflag:s22] =	ssyncadd.s32 $0xFFFFC000  }
.LBB2_5:
0x138: {  	[tilespmem:s28], [sflag:$0x2] =	stream.indirect.gather [hbm4b:s1+s24], $0x80, s10, s24, $0x2000b8;
	[tilespmem:$0x1E800] =	vst v63  }
0x139: {  	s10 =	smov.u32 s9  }
0x13a: {  	p4 =	sne.s32 s9, $0x4800;
	s9 =	sadd.s32 $0x400, s9;
	_ =	swait.ge [sflag:s29], $0x4000  }
0x13b: {  	s10 =	sshra.s32 s10, $0x2;
	[sflag:s29] =	ssyncset.done $0x0  }
0x13c: {  	s13 =	sadd.s32 $0x15400, s10;
	[sflag:s29] =	ssyncadd.s32 $0xFFFFC000  }
0x13d: {  	[spmem:s3] =	stream.indirect.scatter.add.f32 [tilespmem:s25], [sflag:$0x3], $0x80, s13, s24, $0x2000b8;
	[tilespmem:$0x1E800] =	vst v63  }
0x13e: {  	_ =	swait.ge [sflag:s22], $0x4000  }
0x13f: {  	[sflag:s22] =	ssyncset.done $0x0  }
0x140: {  	s13 =	sadd.s32 $0x14100, s10;
	[sflag:s22] =	ssyncadd.s32 $0xFFFFC000  }
0x141: {  	[tilespmem:s25], [sflag:$0x1] =	stream.indirect.gather [hbm4b:s1+s24], $0x80, s13, s24, $0x2000b8;
	[tilespmem:$0x1E800] =	vst v63  }
0x142: {  	_ =	swait.ge [sflag:s31], $0x4000  }
0x143: {  	[sflag:s31] =	ssyncset.done $0x0  }
.Ltmp4:
0x144: {  	s13 =	sadd.s32 $0x15480, s10;
	[sflag:s31] =	ssyncadd.s32 $0xFFFFC000;
	(pc) =	sbr.rel @p4 .LBB2_5-.Ltmp4, $4  }
0x145: {  	[spmem:s3] =	stream.indirect.scatter.add.f32 [tilespmem:s28], [sflag:$0x3], $0x80, s13, s24, $0x2000b8;
	[tilespmem:$0x1E800] =	vst v63  }
0x146: {  	_ =	swait.ge [sflag:s22], $0x4000  }
0x147: {  	[sflag:s22] =	ssyncset.done $0x0  }
0x148: {  	s10 =	sadd.s32 $0x14180, s10;
	[sflag:s22] =	ssyncadd.s32 $0xFFFFC000  }
0x149: {  	[tilespmem:s28], [sflag:$0x2] =	stream.indirect.gather [hbm4b:s1+s24], $0x80, s10, s24, $0x2000b8;
	[tilespmem:$0x1E800] =	vst v63  }
0x14a: {  	_ =	swait.ge [sflag:s29], $0x4000  }
0x14b: {  	[sflag:s29] =	ssyncset.done $0x0  }
0x14c: {  	[sflag:s29] =	ssyncadd.s32 $0xFFFFC000  }
0x14d: {  	[spmem:s3] =	stream.indirect.scatter.add.f32 [tilespmem:s25], [sflag:$0x3], $0x80, s0, s24, $0x2000b8;
	[tilespmem:$0x1E800] =	vst v63  }
0x14e: {  	_ =	swait.ge [sflag:s22], $0x4000  }
0x14f: {  	[sflag:s22] =	ssyncset.done $0x0  }
0x150: {  	[sflag:s22] =	ssyncadd.s32 $0xFFFFC000  }
0x151: {  	_ =	swait.ge [sflag:s31], $0x4000  }
0x152: {  	[sflag:s31] =	ssyncset.done $0x0  }
.Ltmp5:
0x153: {  	[sflag:s31] =	ssyncadd.s32 $0xFFFFC000;
	(pc) =	sbr.rel .LBB2_8-.Ltmp5, $4  }
0x154: {  	[spmem:s3] =	stream.indirect.scatter.add.f32 [tilespmem:s28], [sflag:$0x3], $0x80, s30, s24, $0x2000b8;
	[tilespmem:$0x1E800] =	vst v63  }
0x155: {  	_ =	swait.ge [sflag:s22], $0x4000  }
0x156: {  	[sflag:s22] =	ssyncset.done $0x0  }
0x157: {  	[sflag:s22] =	ssyncadd.s32 $0xFFFFC000  }
.LBB2_9:
0x158: {  	_ =	sfence.sel $0x180000  }
0x159: {  	[bflag:$0x0] =	sbarrier.arrive $0xFFFF  }
0x15a: {  	_ =	strace $0x90000047  }
0x15b: {  	[bflag:$0x2] =	sbarrier.arrive $0xFFFF  }
0x15c: {  	p0 =	sne.s32 s4, $0x0;
	s0 =	rddreg [dreg:$0x5]  }
0x15d: {  	s0 =	sadd.s32 @!p0 $0x100000, s0  }
0x15e: {  	[sflag:s0] =	ssyncadd.tile.s32 @!p0 $0x1;
	_ =	shalt  }
.Lfunc_end2:
_tile_overlayer_lowered:
.L_overlay_start_2:
0x15f: {  	(tag) =	ssettag $0x2  }
0x160: {  	s0 =	rddreg [dreg:$0x0];
	s2 =	stileid.u32  }
0x161: {  	s1 =	rddreg [dreg:$0x1];
	p0 =	sne.s32 s2, $0x0  }
0x162: {  	s3 =	rddreg [dreg:$0x2];
	[bflag:$0x3] =	sbarrier.arrive $0xFFFF;
	s2 =	simm.s32 @!p0 $0x1C03  }
0x163: {  	[timem:s3], [sflag:s2] =	dma.local @!p0 [hbm:s0], s1  }
0x164: {  	s0 =	simm.s32 @!p0 $0x3  }
0x165: {  	_ =	swait.ge @!p0 [sflag:s0], s1  }
0x166: {  	s1 =	ssub.s32 @!p0 $0x0, s1;
	[sflag:s0] =	ssyncset.done @!p0 $0x0  }
0x167: {  	[sflag:s0] =	ssyncadd.s32 @!p0 s1  }
0x168: {  	[bflag:$0x3] =	sbarrier.arrive $0xFFFF  }
0x169: {  	_ =	shalt  }

</sc_bundles>
